<compile_context>
chip_gen: v7x
topology: tpu7x:2x2x1
jax: 0.10.2.dev20260603
libtpu: 0.0.44.dev20260713+nightly
codegen_flags: <defaults>
</compile_context>

<pallas_src>
import functools

import jax
import jax.numpy as jnp
from jax import lax
from jax.experimental import pallas as pl
from jax.experimental.pallas import tpu as pltpu
from jax.experimental.pallas import tpu_sc as plsc

NUM_EXPERTS = 8
HIDDEN = 2048
INTER = 1024
TOKENS = 8192
TOPK = 2

BM = 256
NB = (TOKENS * TOPK) // BM + NUM_EXPERTS
C_CAP = NB * BM

NW = 32
ROWS_PER_W = C_CAP // NW
G_CHUNK = 16
N_GCH = ROWS_PER_W // G_CHUNK
T_PER_W = TOKENS // NW
C_CHUNK = 8
N_CCH = T_PER_W // C_CHUNK

_MESH = plsc.VectorSubcoreMesh(core_axis_name="c", subcore_axis_name="s")


@functools.partial(
    pl.kernel,
    out_type=jax.ShapeDtypeStruct((C_CAP, HIDDEN), jnp.float32),
    mesh=_MESH,
    scratch_types=[
        pltpu.VMEM((N_GCH, G_CHUNK), jnp.int32),
        pltpu.VMEM((G_CHUNK, HIDDEN), jnp.float32),
        pltpu.VMEM((G_CHUNK, HIDDEN), jnp.float32),
        pltpu.VMEM((G_CHUNK, HIDDEN), jnp.float32),
        pltpu.SemaphoreType.DMA,
        pltpu.SemaphoreType.DMA,
        pltpu.SemaphoreType.DMA,
        pltpu.SemaphoreType.DMA,
        pltpu.SemaphoreType.DMA,
        pltpu.SemaphoreType.DMA,
    ],
)
def _sc_gather(x_hbm, idx_hbm, out_hbm, idx_v, b0, b1, b2,
               sg0, sg1, sg2, sw0, sw1, sw2):
    wid = lax.axis_index("s") * 2 + lax.axis_index("c")
    pltpu.sync_copy(idx_hbm.at[wid], idx_v)
    base = wid * ROWS_PER_W
    bufs = (b0, b1, b2)
    sgs = (sg0, sg1, sg2)
    sws = (sw0, sw1, sw2)
    nh = N_GCH // 3

    def g(ch, u):
        return pltpu.make_async_copy(x_hbm.at[idx_v.at[ch]], bufs[u], sgs[u])

    def w(ch, u):
        return pltpu.make_async_copy(
            bufs[u], out_hbm.at[pl.ds(base + ch * G_CHUNK, G_CHUNK)], sws[u])

    g(0, 0).start()
    g(1, 1).start()

    @pl.loop(0, nh)
    def _(h):
        c = 3 * h

        @pl.when(h > 0)
        def _():
            w(c - 2, 1).wait()
            g(c + 1, 1).start()

        g(c, 0).wait()
        w(c, 0).start()

        @pl.when(h > 0)
        def _():
            w(c - 1, 2).wait()

        g(c + 2, 2).start()
        g(c + 1, 1).wait()
        w(c + 1, 1).start()

        w(c, 0).wait()

        @pl.when(h < nh - 1)
        def _():
            g(c + 3, 0).start()

        g(c + 2, 2).wait()
        w(c + 2, 2).start()

    w(N_GCH - 2, 1).wait()
    w(N_GCH - 1, 2).wait()


@functools.partial(
    pl.kernel,
    out_type=jax.ShapeDtypeStruct((TOKENS, HIDDEN), jnp.float32),
    mesh=_MESH,
    scratch_types=[
        pltpu.VMEM((N_CCH, C_CHUNK), jnp.int32),
        pltpu.VMEM((N_CCH, C_CHUNK), jnp.int32),
        pltpu.VMEM((C_CHUNK, HIDDEN), jnp.float32),
        pltpu.VMEM((C_CHUNK, HIDDEN), jnp.float32),
        pltpu.VMEM((C_CHUNK, HIDDEN), jnp.float32),
        pltpu.VMEM((C_CHUNK, HIDDEN), jnp.float32),
        pltpu.SemaphoreType.DMA,
        pltpu.SemaphoreType.DMA,
        pltpu.SemaphoreType.DMA,
        pltpu.SemaphoreType.DMA,
        pltpu.SemaphoreType.DMA,
        pltpu.SemaphoreType.DMA,
    ],
)
def _sc_combine(dw_hbm, p0_hbm, p1_hbm, out_hbm, p0_v, p1_v,
                a0, b0, a1, b1, sa0, sb0, sa1, sb1, sw0, sw1):
    wid = lax.axis_index("s") * 2 + lax.axis_index("c")
    pltpu.sync_copy(p0_hbm.at[wid], p0_v)
    pltpu.sync_copy(p1_hbm.at[wid], p1_v)
    base = wid * T_PER_W
    nh = N_CCH // 2

    def ga(ch, buf, sem):
        return pltpu.make_async_copy(dw_hbm.at[p0_v.at[ch]], buf, sem)

    def gb(ch, buf, sem):
        return pltpu.make_async_copy(dw_hbm.at[p1_v.at[ch]], buf, sem)

    def w(ch, buf, sem):
        return pltpu.make_async_copy(
            buf, out_hbm.at[pl.ds(base + ch * C_CHUNK, C_CHUNK)], sem)

    def add(abuf, bbuf):
        @pl.loop(0, C_CHUNK)
        def _(r):
            @pl.loop(0, HIDDEN, step=64)
            def _(j):
                for u in range(4):
                    slc = (pl.ds(r, 1), pl.ds(j + u * 16, 16))
                    abuf.at[*slc][...] = abuf.at[*slc][...] + bbuf.at[*slc][...]

    ga(0, a0, sa0).start()
    gb(0, b0, sb0).start()

    @pl.loop(0, nh)
    def _(h):
        c0 = 2 * h
        c1 = c0 + 1
        ga(c0, a0, sa0).wait()
        gb(c0, b0, sb0).wait()

        @pl.when(h > 0)
        def _():
            w(c0, a1, sw1).wait()

        ga(c1, a1, sa1).start()
        gb(c1, b1, sb1).start()
        add(a0, b0)
        w(c0, a0, sw0).start()

        ga(c1, a1, sa1).wait()
        gb(c1, b1, sb1).wait()

        @pl.when(h < nh - 1)
        def _():
            w(c0, a0, sw0).wait()
            ga(c0 + 2, a0, sa0).start()
            gb(c0 + 2, b0, sb0).start()

        add(a1, b1)
        w(c1, a1, sw1).start()

    w(0, a0, sw0).wait()
    w(0, a1, sw1).wait()


def _mm_body(be_ref, act_ref, x_ref, gu_ref, dn_ref, w_ref, o_ref):
    b = pl.program_id(0)

    @pl.when(act_ref[b] == 1)
    def _():
        xb = x_ref[...].astype(jnp.bfloat16)
        gu = gu_ref[0]
        h = lax.dot_general(xb, gu, (((1,), (1,)), ((), ())),
                            preferred_element_type=jnp.float32)
        gate = h[:, :INTER]
        up = h[:, INTER:]
        act = (gate * jax.nn.sigmoid(gate) * up).astype(jnp.bfloat16)
        d = lax.dot_general(act, dn_ref[0], (((1,), (1,)), ((), ())),
                            preferred_element_type=jnp.float32)
        o_ref[...] = d * w_ref[...]

    @pl.when(act_ref[b] == 0)
    def _():
        o_ref[...] = jnp.zeros_like(o_ref)


def _moe_mm(x_sorted, gu_bf, dn_bf, w_col, be, active):
    grid_spec = pltpu.PrefetchScalarGridSpec(
        num_scalar_prefetch=2,
        grid=(NB,),
        in_specs=[
            pl.BlockSpec((BM, HIDDEN), lambda b, be, ac: (b, 0)),
            pl.BlockSpec((1, 2 * INTER, HIDDEN), lambda b, be, ac: (be[b], 0, 0)),
            pl.BlockSpec((1, HIDDEN, INTER), lambda b, be, ac: (be[b], 0, 0)),
            pl.BlockSpec((BM, 1), lambda b, be, ac: (b, 0)),
        ],
        out_specs=pl.BlockSpec((BM, HIDDEN), lambda b, be, ac: (b, 0)),
    )
    return pl.pallas_call(
        _mm_body,
        grid_spec=grid_spec,
        out_shape=jax.ShapeDtypeStruct((C_CAP, HIDDEN), jnp.float32),
        name="moe_mm",
        compiler_params=pltpu.CompilerParams(
            dimension_semantics=("arbitrary",),
            vmem_limit_bytes=60 * 1024 * 1024,
        ),
    )(be, active, x_sorted, gu_bf, dn_bf, w_col)


def kernel(hidden_states, top_k_index, top_k_weights, gate_up_proj, down_proj):
    n = TOKENS * TOPK
    e_flat = top_k_index.reshape(-1).astype(jnp.int32)
    order = jnp.argsort(e_flat, stable=True).astype(jnp.int32)
    e_sorted = e_flat[order]
    counts = jnp.bincount(e_flat, length=NUM_EXPERTS)
    starts = jnp.concatenate(
        [jnp.zeros(1, jnp.int32), jnp.cumsum(counts)[:-1].astype(jnp.int32)])
    padded = ((counts + BM - 1) // BM) * BM
    pcum = jnp.cumsum(padded)
    poff = jnp.concatenate(
        [jnp.zeros(1, jnp.int32), pcum[:-1].astype(jnp.int32)])
    slot = poff[e_sorted] + (jnp.arange(n, dtype=jnp.int32) - starts[e_sorted])
    src_tok = (order // TOPK).astype(jnp.int32)
    gather_idx = jnp.zeros(C_CAP, jnp.int32).at[slot].set(src_tok)
    w_flat = top_k_weights.reshape(-1)
    w_cap = jnp.zeros(C_CAP, jnp.float32).at[slot].set(w_flat[order])
    pos_flat = jnp.zeros(n, jnp.int32).at[order].set(slot)
    block_starts = jnp.arange(NB, dtype=jnp.int32) * BM
    be = jnp.minimum(jnp.searchsorted(pcum, block_starts, side="right"),
                     NUM_EXPERTS - 1).astype(jnp.int32)
    active = (block_starts < pcum[-1]).astype(jnp.int32)

    x_sorted = _sc_gather(hidden_states, gather_idx.reshape(NW, N_GCH, G_CHUNK))

    dw = _moe_mm(
        x_sorted,
        gate_up_proj.astype(jnp.bfloat16),
        down_proj.astype(jnp.bfloat16),
        w_cap[:, None],
        be,
        active,
    )

    p0 = pos_flat[0::TOPK].reshape(NW, N_CCH, C_CHUNK)
    p1 = pos_flat[1::TOPK].reshape(NW, N_CCH, C_CHUNK)
    return _sc_combine(dw, p0, p1)

# --- scband reference (transcript-rebuilt; emitter-appended) ---
"""Pipeline reference for scband-dummy-swi-gluexperts-44083544326931 (READ-ONLY COPY).

The authoritative reference and input builder live on the scoring server;
editing this copy changes nothing except your own understanding.
"""

import jax, jax.numpy as jnp
import numpy as np

NUM_EXPERTS = 8
HIDDEN = 2048
INTER = 1024
TOKENS = 8192
TOPK = 2


def setup_inputs(seed: int = 0) -> dict:
    key = jax.random.key(seed)
    k1, k2, k3, k4, k5 = jax.random.split(key, 5)
    hidden_states = jax.random.normal(k1, (TOKENS, HIDDEN), dtype=jnp.float32)
    top_k_index = jax.random.randint(k2, (TOKENS, TOPK), 0, NUM_EXPERTS)
    top_k_weights = jax.random.uniform(k3, (TOKENS, TOPK), dtype=jnp.float32)
    gate_up_proj = jax.random.normal(k4, (NUM_EXPERTS, 2 * INTER, HIDDEN), dtype=jnp.float32)
    down_proj = jax.random.normal(k5, (NUM_EXPERTS, HIDDEN, INTER), dtype=jnp.float32)
    return {
        "hidden_states": hidden_states,
        "top_k_index": top_k_index,
        "top_k_weights": top_k_weights,
        "gate_up_proj": gate_up_proj,
        "down_proj": down_proj,
    }


def reference(hidden_states, top_k_index, top_k_weights, gate_up_proj, down_proj):
    num_tokens = hidden_states.shape[0]
    num_top_k = top_k_index.shape[-1]
    # token replication for each top-k slot
    token_idx = jnp.repeat(jnp.arange(num_tokens), num_top_k)
    expert_ids = top_k_index.reshape(-1)

    selected = hidden_states[token_idx]
    sample_weights = top_k_weights.reshape(-1)

    # grouped matmul equivalent: each expert computes all rows at full size;
    # each row keeps only its assigned expert's result (row-wise identical to
    # the contiguous-block matmuls, since matmul rows are independent and the
    # sort/unsort permutation cancels on the elementwise-weighted rows)
    down = jnp.zeros((selected.shape[0], HIDDEN), dtype=selected.dtype)
    for e in range(NUM_EXPERTS):
        up_gate = selected @ gate_up_proj[e].T
        gate, up = jnp.split(up_gate, 2, axis=-1)
        act = jax.nn.silu(gate) * up
        d = act @ down_proj[e].T
        down = jnp.where((expert_ids == e)[:, None], d, down)

    weighted = down * sample_weights[:, None]
    out = weighted.reshape(num_tokens, num_top_k, -1).sum(axis=1)
    return out.astype(hidden_states.dtype)

if __name__ == "__main__":
    import jax
    _d = setup_inputs()
    print(jax.jit(kernel)(*tuple(_d.values())))

</pallas_src>

<mosaic_0001>
#map = affine_map<(d0, d1) -> (0, 0)>
#map1 = affine_map<(d0, d1) -> (0, 0, 0)>
module attributes {stable_mosaic.version = 14 : i64} {
  func.func @_sc_gather(%arg0: i32, %arg1: i32, %arg2: memref<8192x2048xf32, #tpu.memory_space<hbm>>, %arg3: memref<32x36x16xi32, #tpu.memory_space<hbm>>, %arg4: memref<18432x2048xf32, #tpu.memory_space<hbm>>, %arg5: memref<36x16xi32, #tpu.memory_space<vmem>>, %arg6: memref<16x2048xf32, #tpu.memory_space<vmem>>, %arg7: memref<16x2048xf32, #tpu.memory_space<vmem>>, %arg8: memref<16x2048xf32, #tpu.memory_space<vmem>>, %arg9: memref<!tpu.dma_semaphore, #tpu.memory_space<semaphore_mem>>, %arg10: memref<!tpu.dma_semaphore, #tpu.memory_space<semaphore_mem>>, %arg11: memref<!tpu.dma_semaphore, #tpu.memory_space<semaphore_mem>>, %arg12: memref<!tpu.dma_semaphore, #tpu.memory_space<semaphore_mem>>, %arg13: memref<!tpu.dma_semaphore, #tpu.memory_space<semaphore_mem>>, %arg14: memref<!tpu.dma_semaphore, #tpu.memory_space<semaphore_mem>>) attributes {dimension_semantics = [#tpu.dimension_semantics<core_parallel>, #tpu.dimension_semantics<subcore_parallel>], iteration_bounds = array<i64: 2, 16>, scalar_prefetch = 0 : i64, scratch_operands = 10 : i64, tpu.core_type = #tpu.core_type<sc_vector_subcore>, window_params = [{transform_indices = #map}, {transform_indices = #map1}, {transform_indices = #map}]} {
    %mul3A = arith.constant 2 : i32
    %mul3A_0 = arith.muli %arg1, %mul3A : i32
    %add3A = arith.addi %mul3A_0, %arg0 : i32
    "tpu.region"() ({
      %run_scoped3A = tpu.sem_alloc : memref<!tpu.dma_semaphore, #tpu.memory_space<semaphore_mem>>
      %dma_start3A_31 = arith.constant 0 : i32
      %dma_start3A_32 = arith.constant 0 : i32
      %dma_start3A_33 = tpu.memref_slice %arg3[%add3A, %dma_start3A_31, %dma_start3A_32] : memref<32x36x16xi32, #tpu.memory_space<hbm>> -> memref<1x36x16xi32, #tpu.memory_space<hbm>>
      %dma_start3A_34 = tpu.memref_squeeze %dma_start3A_33 : memref<1x36x16xi32, #tpu.memory_space<hbm>> -> memref<36x16xi32, #tpu.memory_space<hbm>>
      %dma_start3A_35 = arith.constant 0 : i32
      %dma_start3A_36 = arith.constant 0 : i32
      %dma_start3A_37 = tpu.memref_slice %arg3[%add3A, %dma_start3A_35, %dma_start3A_36] : memref<32x36x16xi32, #tpu.memory_space<hbm>> -> memref<1x36x16xi32, #tpu.memory_space<hbm>>
      %dma_start3A_38 = tpu.memref_squeeze %dma_start3A_37 : memref<1x36x16xi32, #tpu.memory_space<hbm>> -> memref<36x16xi32, #tpu.memory_space<hbm>>
      tpu.enqueue_dma source(%dma_start3A_38 : memref<36x16xi32, #tpu.memory_space<hbm>>) target(%arg5 : memref<36x16xi32, #tpu.memory_space<vmem>>) target_semaphore(%run_scoped3A : memref<!tpu.dma_semaphore, #tpu.memory_space<semaphore_mem>>)
      %dma_wait3A_39 = arith.constant 0 : i32
      %dma_wait3A_40 = arith.constant 0 : i32
      %dma_wait3A_41 = tpu.memref_slice %arg3[%add3A, %dma_wait3A_39, %dma_wait3A_40] : memref<32x36x16xi32, #tpu.memory_space<hbm>> -> memref<1x36x16xi32, #tpu.memory_space<hbm>>
      %dma_wait3A_42 = tpu.memref_squeeze %dma_wait3A_41 : memref<1x36x16xi32, #tpu.memory_space<hbm>> -> memref<36x16xi32, #tpu.memory_space<hbm>>
      %dma_wait3A_43 = arith.constant 0 : i32
      %dma_wait3A_44 = arith.constant 0 : i32
      %dma_wait3A_45 = tpu.memref_slice %arg3[%add3A, %dma_wait3A_43, %dma_wait3A_44] : memref<32x36x16xi32, #tpu.memory_space<hbm>> -> memref<1x36x16xi32, #tpu.memory_space<hbm>>
      %dma_wait3A_46 = tpu.memref_squeeze %dma_wait3A_45 : memref<1x36x16xi32, #tpu.memory_space<hbm>> -> memref<36x16xi32, #tpu.memory_space<hbm>>
      tpu.wait_dma2 semaphore(%run_scoped3A : memref<!tpu.dma_semaphore, #tpu.memory_space<semaphore_mem>>) src(%dma_wait3A_46 : memref<36x16xi32, #tpu.memory_space<hbm>>) dst(%arg5 : memref<36x16xi32, #tpu.memory_space<vmem>>)
      tpu.yield
    }) : () -> ()
    %mul3A_1 = arith.constant 576 : i32
    %mul3A_2 = arith.muli %add3A, %mul3A_1 : i32
    %dma_start3A = arith.constant 0 : i32
    %dma_start3A_3 = arith.constant 0 : i32
    %dma_start3A_4 = tpu.memref_slice %arg5[%dma_start3A, %dma_start3A_3] : memref<36x16xi32, #tpu.memory_space<vmem>> -> memref<1x16xi32, #tpu.memory_space<vmem>>
    %dma_start3A_5 = tpu.memref_squeeze %dma_start3A_4 : memref<1x16xi32, #tpu.memory_space<vmem>> -> memref<16xi32, #tpu.memory_space<vmem>>
    %dma_start3A_6 = arith.constant 0 : i32
    %dma_start3A_7 = arith.constant 0 : i32
    %dma_start3A_8 = tpu.memref_slice %arg2[%dma_start3A_6, %dma_start3A_7] : memref<8192x2048xf32, #tpu.memory_space<hbm>> -> memref<8192x2048xf32, #tpu.memory_space<hbm>>
    tpu.enqueue_indirect_dma source(%dma_start3A_8 : memref<8192x2048xf32, #tpu.memory_space<hbm>>) target(%arg6 : memref<16x2048xf32, #tpu.memory_space<vmem>>) offsets(%dma_start3A_5 : memref<16xi32, #tpu.memory_space<vmem>>) semaphore(%arg9 : memref<!tpu.dma_semaphore, #tpu.memory_space<semaphore_mem>>)
    %dma_start3A_9 = arith.constant 1 : i32
    %dma_start3A_10 = arith.constant 0 : i32
    %dma_start3A_11 = tpu.memref_slice %arg5[%dma_start3A_9, %dma_start3A_10] : memref<36x16xi32, #tpu.memory_space<vmem>> -> memref<1x16xi32, #tpu.memory_space<vmem>>
    %dma_start3A_12 = tpu.memref_squeeze %dma_start3A_11 : memref<1x16xi32, #tpu.memory_space<vmem>> -> memref<16xi32, #tpu.memory_space<vmem>>
    %dma_start3A_13 = arith.constant 0 : i32
    %dma_start3A_14 = arith.constant 0 : i32
    %dma_start3A_15 = tpu.memref_slice %arg2[%dma_start3A_13, %dma_start3A_14] : memref<8192x2048xf32, #tpu.memory_space<hbm>> -> memref<8192x2048xf32, #tpu.memory_space<hbm>>
    tpu.enqueue_indirect_dma source(%dma_start3A_15 : memref<8192x2048xf32, #tpu.memory_space<hbm>>) target(%arg7 : memref<16x2048xf32, #tpu.memory_space<vmem>>) offsets(%dma_start3A_12 : memref<16xi32, #tpu.memory_space<vmem>>) semaphore(%arg10 : memref<!tpu.dma_semaphore, #tpu.memory_space<semaphore_mem>>)
    %scan3A = arith.constant 0 : i32
    %scan3A_16 = arith.constant 12 : i32
    %scan3A_17 = arith.addi %scan3A, %scan3A_16 : i32
    %scan3A_18 = arith.constant 1 : i32
    scf.for %scan3A_31 = %scan3A to %scan3A_17 step %scan3A_18  : i32 {
      %mul3A_32 = arith.constant 1 : i32
      %mul3A_33 = arith.muli %scan3A_31, %mul3A_32 : i32
      %add3A_34 = arith.constant 0 : i32
      %add3A_35 = arith.addi %add3A_34, %mul3A_33 : i32
      %mul3A_36 = arith.constant 3 : i32
      %mul3A_37 = arith.muli %mul3A_36, %add3A_35 : i32
      %gt3A = arith.constant 0 : i32
      %gt3A_38 = arith.cmpi sgt, %add3A_35, %gt3A : i32
      %convert_element_type3A = arith.extui %gt3A_38 : i1 to i32
      %cond3A = arith.constant 0 : i32
      %cond3A_39 = arith.cmpi ne, %convert_element_type3A, %cond3A : i32
      scf.if %cond3A_39 {
        %sub3A = arith.constant 2 : i32
        %sub3A_111 = arith.subi %mul3A_37, %sub3A : i32
        %mul3A_112 = arith.constant 16 : i32
        %mul3A_113 = arith.muli %sub3A_111, %mul3A_112 : i32
        %add3A_114 = arith.addi %mul3A_2, %mul3A_113 : i32
        %dma_wait3A_115 = arith.constant 0 : i32
        %dma_wait3A_116 = tpu.memref_slice %arg4[%add3A_114, %dma_wait3A_115] : memref<18432x2048xf32, #tpu.memory_space<hbm>> -> memref<16x2048xf32, #tpu.memory_space<hbm>>
        %dma_wait3A_117 = arith.constant 0 : i32
        %dma_wait3A_118 = tpu.memref_slice %arg4[%add3A_114, %dma_wait3A_117] : memref<18432x2048xf32, #tpu.memory_space<hbm>> -> memref<16x2048xf32, #tpu.memory_space<hbm>>
        tpu.wait_dma2 semaphore(%arg13 : memref<!tpu.dma_semaphore, #tpu.memory_space<semaphore_mem>>) src(%arg7 : memref<16x2048xf32, #tpu.memory_space<vmem>>) dst(%dma_wait3A_118 : memref<16x2048xf32, #tpu.memory_space<hbm>>)
        %add3A_119 = arith.constant 1 : i32
        %add3A_120 = arith.addi %mul3A_37, %add3A_119 : i32
        %dma_start3A_121 = arith.constant 0 : i32
        %dma_start3A_122 = tpu.memref_slice %arg5[%add3A_120, %dma_start3A_121] : memref<36x16xi32, #tpu.memory_space<vmem>> -> memref<1x16xi32, #tpu.memory_space<vmem>>
        %dma_start3A_123 = tpu.memref_squeeze %dma_start3A_122 : memref<1x16xi32, #tpu.memory_space<vmem>> -> memref<16xi32, #tpu.memory_space<vmem>>
        %dma_start3A_124 = arith.constant 0 : i32
        %dma_start3A_125 = arith.constant 0 : i32
        %dma_start3A_126 = tpu.memref_slice %arg2[%dma_start3A_124, %dma_start3A_125] : memref<8192x2048xf32, #tpu.memory_space<hbm>> -> memref<8192x2048xf32, #tpu.memory_space<hbm>>
        tpu.enqueue_indirect_dma source(%dma_start3A_126 : memref<8192x2048xf32, #tpu.memory_space<hbm>>) target(%arg7 : memref<16x2048xf32, #tpu.memory_space<vmem>>) offsets(%dma_start3A_123 : memref<16xi32, #tpu.memory_space<vmem>>) semaphore(%arg10 : memref<!tpu.dma_semaphore, #tpu.memory_space<semaphore_mem>>)
      } else {
      }
      %dma_wait3A_40 = arith.constant 0 : i32
      %dma_wait3A_41 = tpu.memref_slice %arg5[%mul3A_37, %dma_wait3A_40] : memref<36x16xi32, #tpu.memory_space<vmem>> -> memref<1x16xi32, #tpu.memory_space<vmem>>
      %dma_wait3A_42 = tpu.memref_squeeze %dma_wait3A_41 : memref<1x16xi32, #tpu.memory_space<vmem>> -> memref<16xi32, #tpu.memory_space<vmem>>
      %dma_wait3A_43 = arith.constant 0 : i32
      %dma_wait3A_44 = arith.constant 0 : i32
      %dma_wait3A_45 = tpu.memref_slice %arg2[%dma_wait3A_43, %dma_wait3A_44] : memref<8192x2048xf32, #tpu.memory_space<hbm>> -> memref<8192x2048xf32, #tpu.memory_space<hbm>>
      tpu.wait_indirect_dma semaphore(%arg9 : memref<!tpu.dma_semaphore, #tpu.memory_space<semaphore_mem>>) src(%dma_wait3A_45 : memref<8192x2048xf32, #tpu.memory_space<hbm>>) dst(%arg6 : memref<16x2048xf32, #tpu.memory_space<vmem>>)
      %mul3A_46 = arith.constant 16 : i32
      %mul3A_47 = arith.muli %mul3A_37, %mul3A_46 : i32
      %add3A_48 = arith.addi %mul3A_2, %mul3A_47 : i32
      %dma_start3A_49 = arith.constant 0 : i32
      %dma_start3A_50 = tpu.memref_slice %arg4[%add3A_48, %dma_start3A_49] : memref<18432x2048xf32, #tpu.memory_space<hbm>> -> memref<16x2048xf32, #tpu.memory_space<hbm>>
      %dma_start3A_51 = arith.constant 0 : i32
      %dma_start3A_52 = tpu.memref_slice %arg4[%add3A_48, %dma_start3A_51] : memref<18432x2048xf32, #tpu.memory_space<hbm>> -> memref<16x2048xf32, #tpu.memory_space<hbm>>
      tpu.enqueue_dma source(%arg6 : memref<16x2048xf32, #tpu.memory_space<vmem>>) target(%dma_start3A_52 : memref<16x2048xf32, #tpu.memory_space<hbm>>) target_semaphore(%arg12 : memref<!tpu.dma_semaphore, #tpu.memory_space<semaphore_mem>>)
      %gt3A_53 = arith.constant 0 : i32
      %gt3A_54 = arith.cmpi sgt, %add3A_35, %gt3A_53 : i32
      %convert_element_type3A_55 = arith.extui %gt3A_54 : i1 to i32
      %cond3A_56 = arith.constant 0 : i32
      %cond3A_57 = arith.cmpi ne, %convert_element_type3A_55, %cond3A_56 : i32
      scf.if %cond3A_57 {
        %sub3A = arith.constant 1 : i32
        %sub3A_111 = arith.subi %mul3A_37, %sub3A : i32
        %mul3A_112 = arith.constant 16 : i32
        %mul3A_113 = arith.muli %sub3A_111, %mul3A_112 : i32
        %add3A_114 = arith.addi %mul3A_2, %mul3A_113 : i32
        %dma_wait3A_115 = arith.constant 0 : i32
        %dma_wait3A_116 = tpu.memref_slice %arg4[%add3A_114, %dma_wait3A_115] : memref<18432x2048xf32, #tpu.memory_space<hbm>> -> memref<16x2048xf32, #tpu.memory_space<hbm>>
        %dma_wait3A_117 = arith.constant 0 : i32
        %dma_wait3A_118 = tpu.memref_slice %arg4[%add3A_114, %dma_wait3A_117] : memref<18432x2048xf32, #tpu.memory_space<hbm>> -> memref<16x2048xf32, #tpu.memory_space<hbm>>
        tpu.wait_dma2 semaphore(%arg14 : memref<!tpu.dma_semaphore, #tpu.memory_space<semaphore_mem>>) src(%arg8 : memref<16x2048xf32, #tpu.memory_space<vmem>>) dst(%dma_wait3A_118 : memref<16x2048xf32, #tpu.memory_space<hbm>>)
      } else {
      }
      %add3A_58 = arith.constant 2 : i32
      %add3A_59 = arith.addi %mul3A_37, %add3A_58 : i32
      %dma_start3A_60 = arith.constant 0 : i32
      %dma_start3A_61 = tpu.memref_slice %arg5[%add3A_59, %dma_start3A_60] : memref<36x16xi32, #tpu.memory_space<vmem>> -> memref<1x16xi32, #tpu.memory_space<vmem>>
      %dma_start3A_62 = tpu.memref_squeeze %dma_start3A_61 : memref<1x16xi32, #tpu.memory_space<vmem>> -> memref<16xi32, #tpu.memory_space<vmem>>
      %dma_start3A_63 = arith.constant 0 : i32
      %dma_start3A_64 = arith.constant 0 : i32
      %dma_start3A_65 = tpu.memref_slice %arg2[%dma_start3A_63, %dma_start3A_64] : memref<8192x2048xf32, #tpu.memory_space<hbm>> -> memref<8192x2048xf32, #tpu.memory_space<hbm>>
      tpu.enqueue_indirect_dma source(%dma_start3A_65 : memref<8192x2048xf32, #tpu.memory_space<hbm>>) target(%arg8 : memref<16x2048xf32, #tpu.memory_space<vmem>>) offsets(%dma_start3A_62 : memref<16xi32, #tpu.memory_space<vmem>>) semaphore(%arg11 : memref<!tpu.dma_semaphore, #tpu.memory_space<semaphore_mem>>)
      %add3A_66 = arith.constant 1 : i32
      %add3A_67 = arith.addi %mul3A_37, %add3A_66 : i32
      %dma_wait3A_68 = arith.constant 0 : i32
      %dma_wait3A_69 = tpu.memref_slice %arg5[%add3A_67, %dma_wait3A_68] : memref<36x16xi32, #tpu.memory_space<vmem>> -> memref<1x16xi32, #tpu.memory_space<vmem>>
      %dma_wait3A_70 = tpu.memref_squeeze %dma_wait3A_69 : memref<1x16xi32, #tpu.memory_space<vmem>> -> memref<16xi32, #tpu.memory_space<vmem>>
      %dma_wait3A_71 = arith.constant 0 : i32
      %dma_wait3A_72 = arith.constant 0 : i32
      %dma_wait3A_73 = tpu.memref_slice %arg2[%dma_wait3A_71, %dma_wait3A_72] : memref<8192x2048xf32, #tpu.memory_space<hbm>> -> memref<8192x2048xf32, #tpu.memory_space<hbm>>
      tpu.wait_indirect_dma semaphore(%arg10 : memref<!tpu.dma_semaphore, #tpu.memory_space<semaphore_mem>>) src(%dma_wait3A_73 : memref<8192x2048xf32, #tpu.memory_space<hbm>>) dst(%arg7 : memref<16x2048xf32, #tpu.memory_space<vmem>>)
      %add3A_74 = arith.constant 1 : i32
      %add3A_75 = arith.addi %mul3A_37, %add3A_74 : i32
      %mul3A_76 = arith.constant 16 : i32
      %mul3A_77 = arith.muli %add3A_75, %mul3A_76 : i32
      %add3A_78 = arith.addi %mul3A_2, %mul3A_77 : i32
      %dma_start3A_79 = arith.constant 0 : i32
      %dma_start3A_80 = tpu.memref_slice %arg4[%add3A_78, %dma_start3A_79] : memref<18432x2048xf32, #tpu.memory_space<hbm>> -> memref<16x2048xf32, #tpu.memory_space<hbm>>
      %dma_start3A_81 = arith.constant 0 : i32
      %dma_start3A_82 = tpu.memref_slice %arg4[%add3A_78, %dma_start3A_81] : memref<18432x2048xf32, #tpu.memory_space<hbm>> -> memref<16x2048xf32, #tpu.memory_space<hbm>>
      tpu.enqueue_dma source(%arg7 : memref<16x2048xf32, #tpu.memory_space<vmem>>) target(%dma_start3A_82 : memref<16x2048xf32, #tpu.memory_space<hbm>>) target_semaphore(%arg13 : memref<!tpu.dma_semaphore, #tpu.memory_space<semaphore_mem>>)
      %mul3A_83 = arith.constant 16 : i32
      %mul3A_84 = arith.muli %mul3A_37, %mul3A_83 : i32
      %add3A_85 = arith.addi %mul3A_2, %mul3A_84 : i32
      %dma_wait3A_86 = arith.constant 0 : i32
      %dma_wait3A_87 = tpu.memref_slice %arg4[%add3A_85, %dma_wait3A_86] : memref<18432x2048xf32, #tpu.memory_space<hbm>> -> memref<16x2048xf32, #tpu.memory_space<hbm>>
      %dma_wait3A_88 = arith.constant 0 : i32
      %dma_wait3A_89 = tpu.memref_slice %arg4[%add3A_85, %dma_wait3A_88] : memref<18432x2048xf32, #tpu.memory_space<hbm>> -> memref<16x2048xf32, #tpu.memory_space<hbm>>
      tpu.wait_dma2 semaphore(%arg12 : memref<!tpu.dma_semaphore, #tpu.memory_space<semaphore_mem>>) src(%arg6 : memref<16x2048xf32, #tpu.memory_space<vmem>>) dst(%dma_wait3A_89 : memref<16x2048xf32, #tpu.memory_space<hbm>>)
      %lt3A = arith.constant 11 : i32
      %lt3A_90 = arith.cmpi slt, %add3A_35, %lt3A : i32
      %convert_element_type3A_91 = arith.extui %lt3A_90 : i1 to i32
      %cond3A_92 = arith.constant 0 : i32
      %cond3A_93 = arith.cmpi ne, %convert_element_type3A_91, %cond3A_92 : i32
      scf.if %cond3A_93 {
        %add3A_111 = arith.constant 3 : i32
        %add3A_112 = arith.addi %mul3A_37, %add3A_111 : i32
        %dma_start3A_113 = arith.constant 0 : i32
        %dma_start3A_114 = tpu.memref_slice %arg5[%add3A_112, %dma_start3A_113] : memref<36x16xi32, #tpu.memory_space<vmem>> -> memref<1x16xi32, #tpu.memory_space<vmem>>
        %dma_start3A_115 = tpu.memref_squeeze %dma_start3A_114 : memref<1x16xi32, #tpu.memory_space<vmem>> -> memref<16xi32, #tpu.memory_space<vmem>>
        %dma_start3A_116 = arith.constant 0 : i32
        %dma_start3A_117 = arith.constant 0 : i32
        %dma_start3A_118 = tpu.memref_slice %arg2[%dma_start3A_116, %dma_start3A_117] : memref<8192x2048xf32, #tpu.memory_space<hbm>> -> memref<8192x2048xf32, #tpu.memory_space<hbm>>
        tpu.enqueue_indirect_dma source(%dma_start3A_118 : memref<8192x2048xf32, #tpu.memory_space<hbm>>) target(%arg6 : memref<16x2048xf32, #tpu.memory_space<vmem>>) offsets(%dma_start3A_115 : memref<16xi32, #tpu.memory_space<vmem>>) semaphore(%arg9 : memref<!tpu.dma_semaphore, #tpu.memory_space<semaphore_mem>>)
      } else {
      }
      %add3A_94 = arith.constant 2 : i32
      %add3A_95 = arith.addi %mul3A_37, %add3A_94 : i32
      %dma_wait3A_96 = arith.constant 0 : i32
      %dma_wait3A_97 = tpu.memref_slice %arg5[%add3A_95, %dma_wait3A_96] : memref<36x16xi32, #tpu.memory_space<vmem>> -> memref<1x16xi32, #tpu.memory_space<vmem>>
      %dma_wait3A_98 = tpu.memref_squeeze %dma_wait3A_97 : memref<1x16xi32, #tpu.memory_space<vmem>> -> memref<16xi32, #tpu.memory_space<vmem>>
      %dma_wait3A_99 = arith.constant 0 : i32
      %dma_wait3A_100 = arith.constant 0 : i32
      %dma_wait3A_101 = tpu.memref_slice %arg2[%dma_wait3A_99, %dma_wait3A_100] : memref<8192x2048xf32, #tpu.memory_space<hbm>> -> memref<8192x2048xf32, #tpu.memory_space<hbm>>
      tpu.wait_indirect_dma semaphore(%arg11 : memref<!tpu.dma_semaphore, #tpu.memory_space<semaphore_mem>>) src(%dma_wait3A_101 : memref<8192x2048xf32, #tpu.memory_space<hbm>>) dst(%arg8 : memref<16x2048xf32, #tpu.memory_space<vmem>>)
      %add3A_102 = arith.constant 2 : i32
      %add3A_103 = arith.addi %mul3A_37, %add3A_102 : i32
      %mul3A_104 = arith.constant 16 : i32
      %mul3A_105 = arith.muli %add3A_103, %mul3A_104 : i32
      %add3A_106 = arith.addi %mul3A_2, %mul3A_105 : i32
      %dma_start3A_107 = arith.constant 0 : i32
      %dma_start3A_108 = tpu.memref_slice %arg4[%add3A_106, %dma_start3A_107] : memref<18432x2048xf32, #tpu.memory_space<hbm>> -> memref<16x2048xf32, #tpu.memory_space<hbm>>
      %dma_start3A_109 = arith.constant 0 : i32
      %dma_start3A_110 = tpu.memref_slice %arg4[%add3A_106, %dma_start3A_109] : memref<18432x2048xf32, #tpu.memory_space<hbm>> -> memref<16x2048xf32, #tpu.memory_space<hbm>>
      tpu.enqueue_dma source(%arg8 : memref<16x2048xf32, #tpu.memory_space<vmem>>) target(%dma_start3A_110 : memref<16x2048xf32, #tpu.memory_space<hbm>>) target_semaphore(%arg14 : memref<!tpu.dma_semaphore, #tpu.memory_space<semaphore_mem>>)
    }
    %scan3A_19 = arith.constant 12 : i32
    %add3A_20 = arith.constant 544 : i32
    %add3A_21 = arith.addi %mul3A_2, %add3A_20 : i32
    %dma_wait3A = arith.constant 0 : i32
    %dma_wait3A_22 = tpu.memref_slice %arg4[%add3A_21, %dma_wait3A] : memref<18432x2048xf32, #tpu.memory_space<hbm>> -> memref<16x2048xf32, #tpu.memory_space<hbm>>
    %dma_wait3A_23 = arith.constant 0 : i32
    %dma_wait3A_24 = tpu.memref_slice %arg4[%add3A_21, %dma_wait3A_23] : memref<18432x2048xf32, #tpu.memory_space<hbm>> -> memref<16x2048xf32, #tpu.memory_space<hbm>>
    tpu.wait_dma2 semaphore(%arg13 : memref<!tpu.dma_semaphore, #tpu.memory_space<semaphore_mem>>) src(%arg7 : memref<16x2048xf32, #tpu.memory_space<vmem>>) dst(%dma_wait3A_24 : memref<16x2048xf32, #tpu.memory_space<hbm>>)
    %add3A_25 = arith.constant 560 : i32
    %add3A_26 = arith.addi %mul3A_2, %add3A_25 : i32
    %dma_wait3A_27 = arith.constant 0 : i32
    %dma_wait3A_28 = tpu.memref_slice %arg4[%add3A_26, %dma_wait3A_27] : memref<18432x2048xf32, #tpu.memory_space<hbm>> -> memref<16x2048xf32, #tpu.memory_space<hbm>>
    %dma_wait3A_29 = arith.constant 0 : i32
    %dma_wait3A_30 = tpu.memref_slice %arg4[%add3A_26, %dma_wait3A_29] : memref<18432x2048xf32, #tpu.memory_space<hbm>> -> memref<16x2048xf32, #tpu.memory_space<hbm>>
    tpu.wait_dma2 semaphore(%arg14 : memref<!tpu.dma_semaphore, #tpu.memory_space<semaphore_mem>>) src(%arg8 : memref<16x2048xf32, #tpu.memory_space<vmem>>) dst(%dma_wait3A_30 : memref<16x2048xf32, #tpu.memory_space<hbm>>)
    return
  }
}

#map = affine_map<(d0, d1) -> (0, 0)>
#map1 = affine_map<(d0, d1) -> (0, 0, 0)>
module attributes {stable_mosaic.version = 14 : i64} {
  func.func @_sc_combine(%arg0: i32, %arg1: i32, %arg2: memref<18432x2048xf32, #tpu.memory_space<hbm>>, %arg3: memref<32x32x8xi32, #tpu.memory_space<hbm>>, %arg4: memref<32x32x8xi32, #tpu.memory_space<hbm>>, %arg5: memref<8192x2048xf32, #tpu.memory_space<hbm>>, %arg6: memref<32x8xi32, #tpu.memory_space<vmem>>, %arg7: memref<32x8xi32, #tpu.memory_space<vmem>>, %arg8: memref<8x2048xf32, #tpu.memory_space<vmem>>, %arg9: memref<8x2048xf32, #tpu.memory_space<vmem>>, %arg10: memref<8x2048xf32, #tpu.memory_space<vmem>>, %arg11: memref<8x2048xf32, #tpu.memory_space<vmem>>, %arg12: memref<!tpu.dma_semaphore, #tpu.memory_space<semaphore_mem>>, %arg13: memref<!tpu.dma_semaphore, #tpu.memory_space<semaphore_mem>>, %arg14: memref<!tpu.dma_semaphore, #tpu.memory_space<semaphore_mem>>, %arg15: memref<!tpu.dma_semaphore, #tpu.memory_space<semaphore_mem>>, %arg16: memref<!tpu.dma_semaphore, #tpu.memory_space<semaphore_mem>>, %arg17: memref<!tpu.dma_semaphore, #tpu.memory_space<semaphore_mem>>) attributes {dimension_semantics = [#tpu.dimension_semantics<core_parallel>, #tpu.dimension_semantics<subcore_parallel>], iteration_bounds = array<i64: 2, 16>, scalar_prefetch = 0 : i64, scratch_operands = 12 : i64, tpu.core_type = #tpu.core_type<sc_vector_subcore>, window_params = [{transform_indices = #map}, {transform_indices = #map1}, {transform_indices = #map1}, {transform_indices = #map}]} {
    %mul3A = arith.constant 2 : i32
    %mul3A_0 = arith.muli %arg1, %mul3A : i32
    %add3A = arith.addi %mul3A_0, %arg0 : i32
    "tpu.region"() ({
      %run_scoped3A = tpu.sem_alloc : memref<!tpu.dma_semaphore, #tpu.memory_space<semaphore_mem>>
      %dma_start3A_31 = arith.constant 0 : i32
      %dma_start3A_32 = arith.constant 0 : i32
      %dma_start3A_33 = tpu.memref_slice %arg3[%add3A, %dma_start3A_31, %dma_start3A_32] : memref<32x32x8xi32, #tpu.memory_space<hbm>> -> memref<1x32x8xi32, #tpu.memory_space<hbm>>
      %dma_start3A_34 = tpu.memref_squeeze %dma_start3A_33 : memref<1x32x8xi32, #tpu.memory_space<hbm>> -> memref<32x8xi32, #tpu.memory_space<hbm>>
      %dma_start3A_35 = arith.constant 0 : i32
      %dma_start3A_36 = arith.constant 0 : i32
      %dma_start3A_37 = tpu.memref_slice %arg3[%add3A, %dma_start3A_35, %dma_start3A_36] : memref<32x32x8xi32, #tpu.memory_space<hbm>> -> memref<1x32x8xi32, #tpu.memory_space<hbm>>
      %dma_start3A_38 = tpu.memref_squeeze %dma_start3A_37 : memref<1x32x8xi32, #tpu.memory_space<hbm>> -> memref<32x8xi32, #tpu.memory_space<hbm>>
      tpu.enqueue_dma source(%dma_start3A_38 : memref<32x8xi32, #tpu.memory_space<hbm>>) target(%arg6 : memref<32x8xi32, #tpu.memory_space<vmem>>) target_semaphore(%run_scoped3A : memref<!tpu.dma_semaphore, #tpu.memory_space<semaphore_mem>>)
      %dma_wait3A_39 = arith.constant 0 : i32
      %dma_wait3A_40 = arith.constant 0 : i32
      %dma_wait3A_41 = tpu.memref_slice %arg3[%add3A, %dma_wait3A_39, %dma_wait3A_40] : memref<32x32x8xi32, #tpu.memory_space<hbm>> -> memref<1x32x8xi32, #tpu.memory_space<hbm>>
      %dma_wait3A_42 = tpu.memref_squeeze %dma_wait3A_41 : memref<1x32x8xi32, #tpu.memory_space<hbm>> -> memref<32x8xi32, #tpu.memory_space<hbm>>
      %dma_wait3A_43 = arith.constant 0 : i32
      %dma_wait3A_44 = arith.constant 0 : i32
      %dma_wait3A_45 = tpu.memref_slice %arg3[%add3A, %dma_wait3A_43, %dma_wait3A_44] : memref<32x32x8xi32, #tpu.memory_space<hbm>> -> memref<1x32x8xi32, #tpu.memory_space<hbm>>
      %dma_wait3A_46 = tpu.memref_squeeze %dma_wait3A_45 : memref<1x32x8xi32, #tpu.memory_space<hbm>> -> memref<32x8xi32, #tpu.memory_space<hbm>>
      tpu.wait_dma2 semaphore(%run_scoped3A : memref<!tpu.dma_semaphore, #tpu.memory_space<semaphore_mem>>) src(%dma_wait3A_46 : memref<32x8xi32, #tpu.memory_space<hbm>>) dst(%arg6 : memref<32x8xi32, #tpu.memory_space<vmem>>)
      tpu.yield
    }) : () -> ()
    "tpu.region"() ({
      %run_scoped3A = tpu.sem_alloc : memref<!tpu.dma_semaphore, #tpu.memory_space<semaphore_mem>>
      %dma_start3A_31 = arith.constant 0 : i32
      %dma_start3A_32 = arith.constant 0 : i32
      %dma_start3A_33 = tpu.memref_slice %arg4[%add3A, %dma_start3A_31, %dma_start3A_32] : memref<32x32x8xi32, #tpu.memory_space<hbm>> -> memref<1x32x8xi32, #tpu.memory_space<hbm>>
      %dma_start3A_34 = tpu.memref_squeeze %dma_start3A_33 : memref<1x32x8xi32, #tpu.memory_space<hbm>> -> memref<32x8xi32, #tpu.memory_space<hbm>>
      %dma_start3A_35 = arith.constant 0 : i32
      %dma_start3A_36 = arith.constant 0 : i32
      %dma_start3A_37 = tpu.memref_slice %arg4[%add3A, %dma_start3A_35, %dma_start3A_36] : memref<32x32x8xi32, #tpu.memory_space<hbm>> -> memref<1x32x8xi32, #tpu.memory_space<hbm>>
      %dma_start3A_38 = tpu.memref_squeeze %dma_start3A_37 : memref<1x32x8xi32, #tpu.memory_space<hbm>> -> memref<32x8xi32, #tpu.memory_space<hbm>>
      tpu.enqueue_dma source(%dma_start3A_38 : memref<32x8xi32, #tpu.memory_space<hbm>>) target(%arg7 : memref<32x8xi32, #tpu.memory_space<vmem>>) target_semaphore(%run_scoped3A : memref<!tpu.dma_semaphore, #tpu.memory_space<semaphore_mem>>)
      %dma_wait3A_39 = arith.constant 0 : i32
      %dma_wait3A_40 = arith.constant 0 : i32
      %dma_wait3A_41 = tpu.memref_slice %arg4[%add3A, %dma_wait3A_39, %dma_wait3A_40] : memref<32x32x8xi32, #tpu.memory_space<hbm>> -> memref<1x32x8xi32, #tpu.memory_space<hbm>>
      %dma_wait3A_42 = tpu.memref_squeeze %dma_wait3A_41 : memref<1x32x8xi32, #tpu.memory_space<hbm>> -> memref<32x8xi32, #tpu.memory_space<hbm>>
      %dma_wait3A_43 = arith.constant 0 : i32
      %dma_wait3A_44 = arith.constant 0 : i32
      %dma_wait3A_45 = tpu.memref_slice %arg4[%add3A, %dma_wait3A_43, %dma_wait3A_44] : memref<32x32x8xi32, #tpu.memory_space<hbm>> -> memref<1x32x8xi32, #tpu.memory_space<hbm>>
      %dma_wait3A_46 = tpu.memref_squeeze %dma_wait3A_45 : memref<1x32x8xi32, #tpu.memory_space<hbm>> -> memref<32x8xi32, #tpu.memory_space<hbm>>
      tpu.wait_dma2 semaphore(%run_scoped3A : memref<!tpu.dma_semaphore, #tpu.memory_space<semaphore_mem>>) src(%dma_wait3A_46 : memref<32x8xi32, #tpu.memory_space<hbm>>) dst(%arg7 : memref<32x8xi32, #tpu.memory_space<vmem>>)
      tpu.yield
    }) : () -> ()
    %mul3A_1 = arith.constant 256 : i32
    %mul3A_2 = arith.muli %add3A, %mul3A_1 : i32
    %dma_start3A = arith.constant 0 : i32
    %dma_start3A_3 = arith.constant 0 : i32
    %dma_start3A_4 = tpu.memref_slice %arg6[%dma_start3A, %dma_start3A_3] : memref<32x8xi32, #tpu.memory_space<vmem>> -> memref<1x8xi32, #tpu.memory_space<vmem>>
    %dma_start3A_5 = tpu.memref_squeeze %dma_start3A_4 : memref<1x8xi32, #tpu.memory_space<vmem>> -> memref<8xi32, #tpu.memory_space<vmem>>
    %dma_start3A_6 = arith.constant 0 : i32
    %dma_start3A_7 = arith.constant 0 : i32
    %dma_start3A_8 = tpu.memref_slice %arg2[%dma_start3A_6, %dma_start3A_7] : memref<18432x2048xf32, #tpu.memory_space<hbm>> -> memref<18432x2048xf32, #tpu.memory_space<hbm>>
    tpu.enqueue_indirect_dma source(%dma_start3A_8 : memref<18432x2048xf32, #tpu.memory_space<hbm>>) target(%arg8 : memref<8x2048xf32, #tpu.memory_space<vmem>>) offsets(%dma_start3A_5 : memref<8xi32, #tpu.memory_space<vmem>>) semaphore(%arg12 : memref<!tpu.dma_semaphore, #tpu.memory_space<semaphore_mem>>)
    %dma_start3A_9 = arith.constant 0 : i32
    %dma_start3A_10 = arith.constant 0 : i32
    %dma_start3A_11 = tpu.memref_slice %arg7[%dma_start3A_9, %dma_start3A_10] : memref<32x8xi32, #tpu.memory_space<vmem>> -> memref<1x8xi32, #tpu.memory_space<vmem>>
    %dma_start3A_12 = tpu.memref_squeeze %dma_start3A_11 : memref<1x8xi32, #tpu.memory_space<vmem>> -> memref<8xi32, #tpu.memory_space<vmem>>
    %dma_start3A_13 = arith.constant 0 : i32
    %dma_start3A_14 = arith.constant 0 : i32
    %dma_start3A_15 = tpu.memref_slice %arg2[%dma_start3A_13, %dma_start3A_14] : memref<18432x2048xf32, #tpu.memory_space<hbm>> -> memref<18432x2048xf32, #tpu.memory_space<hbm>>
    tpu.enqueue_indirect_dma source(%dma_start3A_15 : memref<18432x2048xf32, #tpu.memory_space<hbm>>) target(%arg9 : memref<8x2048xf32, #tpu.memory_space<vmem>>) offsets(%dma_start3A_12 : memref<8xi32, #tpu.memory_space<vmem>>) semaphore(%arg13 : memref<!tpu.dma_semaphore, #tpu.memory_space<semaphore_mem>>)
    %scan3A = arith.constant 0 : i32
    %scan3A_16 = arith.constant 16 : i32
    %scan3A_17 = arith.addi %scan3A, %scan3A_16 : i32
    %scan3A_18 = arith.constant 1 : i32
    scf.for %scan3A_31 = %scan3A to %scan3A_17 step %scan3A_18  : i32 {
      %mul3A_32 = arith.constant 1 : i32
      %mul3A_33 = arith.muli %scan3A_31, %mul3A_32 : i32
      %add3A_34 = arith.constant 0 : i32
      %add3A_35 = arith.addi %add3A_34, %mul3A_33 : i32
      %mul3A_36 = arith.constant 2 : i32
      %mul3A_37 = arith.muli %mul3A_36, %add3A_35 : i32
      %add3A_38 = arith.constant 1 : i32
      %add3A_39 = arith.addi %mul3A_37, %add3A_38 : i32
      %dma_wait3A_40 = arith.constant 0 : i32
      %dma_wait3A_41 = tpu.memref_slice %arg6[%mul3A_37, %dma_wait3A_40] : memref<32x8xi32, #tpu.memory_space<vmem>> -> memref<1x8xi32, #tpu.memory_space<vmem>>
      %dma_wait3A_42 = tpu.memref_squeeze %dma_wait3A_41 : memref<1x8xi32, #tpu.memory_space<vmem>> -> memref<8xi32, #tpu.memory_space<vmem>>
      %dma_wait3A_43 = arith.constant 0 : i32
      %dma_wait3A_44 = arith.constant 0 : i32
      %dma_wait3A_45 = tpu.memref_slice %arg2[%dma_wait3A_43, %dma_wait3A_44] : memref<18432x2048xf32, #tpu.memory_space<hbm>> -> memref<18432x2048xf32, #tpu.memory_space<hbm>>
      tpu.wait_indirect_dma semaphore(%arg12 : memref<!tpu.dma_semaphore, #tpu.memory_space<semaphore_mem>>) src(%dma_wait3A_45 : memref<18432x2048xf32, #tpu.memory_space<hbm>>) dst(%arg8 : memref<8x2048xf32, #tpu.memory_space<vmem>>)
      %dma_wait3A_46 = arith.constant 0 : i32
      %dma_wait3A_47 = tpu.memref_slice %arg7[%mul3A_37, %dma_wait3A_46] : memref<32x8xi32, #tpu.memory_space<vmem>> -> memref<1x8xi32, #tpu.memory_space<vmem>>
      %dma_wait3A_48 = tpu.memref_squeeze %dma_wait3A_47 : memref<1x8xi32, #tpu.memory_space<vmem>> -> memref<8xi32, #tpu.memory_space<vmem>>
      %dma_wait3A_49 = arith.constant 0 : i32
      %dma_wait3A_50 = arith.constant 0 : i32
      %dma_wait3A_51 = tpu.memref_slice %arg2[%dma_wait3A_49, %dma_wait3A_50] : memref<18432x2048xf32, #tpu.memory_space<hbm>> -> memref<18432x2048xf32, #tpu.memory_space<hbm>>
      tpu.wait_indirect_dma semaphore(%arg13 : memref<!tpu.dma_semaphore, #tpu.memory_space<semaphore_mem>>) src(%dma_wait3A_51 : memref<18432x2048xf32, #tpu.memory_space<hbm>>) dst(%arg9 : memref<8x2048xf32, #tpu.memory_space<vmem>>)
      %gt3A = arith.constant 0 : i32
      %gt3A_52 = arith.cmpi sgt, %add3A_35, %gt3A : i32
      %convert_element_type3A = arith.extui %gt3A_52 : i1 to i32
      %cond3A = arith.constant 0 : i32
      %cond3A_53 = arith.cmpi ne, %convert_element_type3A, %cond3A : i32
      scf.if %cond3A_53 {
        %mul3A_106 = arith.constant 8 : i32
        %mul3A_107 = arith.muli %mul3A_37, %mul3A_106 : i32
        %add3A_108 = arith.addi %mul3A_2, %mul3A_107 : i32
        %dma_wait3A_109 = arith.constant 0 : i32
        %dma_wait3A_110 = tpu.memref_slice %arg5[%add3A_108, %dma_wait3A_109] : memref<8192x2048xf32, #tpu.memory_space<hbm>> -> memref<8x2048xf32, #tpu.memory_space<hbm>>
        %dma_wait3A_111 = arith.constant 0 : i32
        %dma_wait3A_112 = tpu.memref_slice %arg5[%add3A_108, %dma_wait3A_111] : memref<8192x2048xf32, #tpu.memory_space<hbm>> -> memref<8x2048xf32, #tpu.memory_space<hbm>>
        tpu.wait_dma2 semaphore(%arg17 : memref<!tpu.dma_semaphore, #tpu.memory_space<semaphore_mem>>) src(%arg10 : memref<8x2048xf32, #tpu.memory_space<vmem>>) dst(%dma_wait3A_112 : memref<8x2048xf32, #tpu.memory_space<hbm>>)
      } else {
      }
      %dma_start3A_54 = arith.constant 0 : i32
      %dma_start3A_55 = tpu.memref_slice %arg6[%add3A_39, %dma_start3A_54] : memref<32x8xi32, #tpu.memory_space<vmem>> -> memref<1x8xi32, #tpu.memory_space<vmem>>
      %dma_start3A_56 = tpu.memref_squeeze %dma_start3A_55 : memref<1x8xi32, #tpu.memory_space<vmem>> -> memref<8xi32, #tpu.memory_space<vmem>>
      %dma_start3A_57 = arith.constant 0 : i32
      %dma_start3A_58 = arith.constant 0 : i32
      %dma_start3A_59 = tpu.memref_slice %arg2[%dma_start3A_57, %dma_start3A_58] : memref<18432x2048xf32, #tpu.memory_space<hbm>> -> memref<18432x2048xf32, #tpu.memory_space<hbm>>
      tpu.enqueue_indirect_dma source(%dma_start3A_59 : memref<18432x2048xf32, #tpu.memory_space<hbm>>) target(%arg10 : memref<8x2048xf32, #tpu.memory_space<vmem>>) offsets(%dma_start3A_56 : memref<8xi32, #tpu.memory_space<vmem>>) semaphore(%arg14 : memref<!tpu.dma_semaphore, #tpu.memory_space<semaphore_mem>>)
      %dma_start3A_60 = arith.constant 0 : i32
      %dma_start3A_61 = tpu.memref_slice %arg7[%add3A_39, %dma_start3A_60] : memref<32x8xi32, #tpu.memory_space<vmem>> -> memref<1x8xi32, #tpu.memory_space<vmem>>
      %dma_start3A_62 = tpu.memref_squeeze %dma_start3A_61 : memref<1x8xi32, #tpu.memory_space<vmem>> -> memref<8xi32, #tpu.memory_space<vmem>>
      %dma_start3A_63 = arith.constant 0 : i32
      %dma_start3A_64 = arith.constant 0 : i32
      %dma_start3A_65 = tpu.memref_slice %arg2[%dma_start3A_63, %dma_start3A_64] : memref<18432x2048xf32, #tpu.memory_space<hbm>> -> memref<18432x2048xf32, #tpu.memory_space<hbm>>
      tpu.enqueue_indirect_dma source(%dma_start3A_65 : memref<18432x2048xf32, #tpu.memory_space<hbm>>) target(%arg11 : memref<8x2048xf32, #tpu.memory_space<vmem>>) offsets(%dma_start3A_62 : memref<8xi32, #tpu.memory_space<vmem>>) semaphore(%arg15 : memref<!tpu.dma_semaphore, #tpu.memory_space<semaphore_mem>>)
      %scan3A_66 = arith.constant 0 : i32
      %scan3A_67 = arith.constant 8 : i32
      %scan3A_68 = arith.addi %scan3A_66, %scan3A_67 : i32
      %scan3A_69 = arith.constant 1 : i32
      scf.for %scan3A_106 = %scan3A_66 to %scan3A_68 step %scan3A_69  : i32 {
        %mul3A_107 = arith.constant 1 : i32
        %mul3A_108 = arith.muli %scan3A_106, %mul3A_107 : i32
        %add3A_109 = arith.constant 0 : i32
        %add3A_110 = arith.addi %add3A_109, %mul3A_108 : i32
        %scan3A_111 = arith.constant 0 : i32
        %scan3A_112 = arith.constant 32 : i32
        %scan3A_113 = arith.addi %scan3A_111, %scan3A_112 : i32
        %scan3A_114 = arith.constant 1 : i32
        scf.for %scan3A_116 = %scan3A_111 to %scan3A_113 step %scan3A_114  : i32 {
          %mul3A_117 = arith.constant 64 : i32
          %mul3A_118 = arith.muli %scan3A_116, %mul3A_117 : i32
          %add3A_119 = arith.constant 0 : i32
          %add3A_120 = arith.addi %add3A_119, %mul3A_118 : i32
          %add3A_121 = arith.constant 0 : i32
          %add3A_122 = arith.addi %add3A_120, %add3A_121 : i32
          %get3A = arith.index_cast %add3A_110 : i32 to index
          %get3A_123 = arith.index_cast %add3A_122 : i32 to index
          %get3A_124 = tpu.vector_load %arg8[%get3A, %get3A_123] {strides = array<i32>} : memref<8x2048xf32, #tpu.memory_space<vmem>>, vector<1x16xf32>,
          %get3A_125 = vector.shape_cast %get3A_124 : vector<1x16xf32> to vector<1x16xf32>
          %get3A_126 = arith.index_cast %add3A_110 : i32 to index
          %get3A_127 = arith.index_cast %add3A_122 : i32 to index
          %get3A_128 = tpu.vector_load %arg9[%get3A_126, %get3A_127] {strides = array<i32>} : memref<8x2048xf32, #tpu.memory_space<vmem>>, vector<1x16xf32>,
          %get3A_129 = vector.shape_cast %get3A_128 : vector<1x16xf32> to vector<1x16xf32>
          %add3A_130 = arith.addf %get3A_125, %get3A_129 : vector<1x16xf32>
          %swap3A = arith.index_cast %add3A_110 : i32 to index
          %swap3A_131 = arith.index_cast %add3A_122 : i32 to index
          %swap3A_132 = tpu.vector_load %arg8[%swap3A, %swap3A_131] {strides = array<i32>} : memref<8x2048xf32, #tpu.memory_space<vmem>>, vector<1x16xf32>,
          %swap3A_133 = vector.shape_cast %swap3A_132 : vector<1x16xf32> to vector<1x16xf32>
          %swap3A_134 = vector.shape_cast %add3A_130 : vector<1x16xf32> to vector<1x16xf32>
          tpu.vector_store %arg8[%swap3A, %swap3A_131], %swap3A_134 {strides = array<i32>} : memref<8x2048xf32, #tpu.memory_space<vmem>>, vector<1x16xf32>,
          %add3A_135 = arith.constant 16 : i32
          %add3A_136 = arith.addi %add3A_120, %add3A_135 : i32
          %get3A_137 = arith.index_cast %add3A_110 : i32 to index
          %get3A_138 = arith.index_cast %add3A_136 : i32 to index
          %get3A_139 = tpu.vector_load %arg8[%get3A_137, %get3A_138] {strides = array<i32>} : memref<8x2048xf32, #tpu.memory_space<vmem>>, vector<1x16xf32>,
          %get3A_140 = vector.shape_cast %get3A_139 : vector<1x16xf32> to vector<1x16xf32>
          %get3A_141 = arith.index_cast %add3A_110 : i32 to index
          %get3A_142 = arith.index_cast %add3A_136 : i32 to index
          %get3A_143 = tpu.vector_load %arg9[%get3A_141, %get3A_142] {strides = array<i32>} : memref<8x2048xf32, #tpu.memory_space<vmem>>, vector<1x16xf32>,
          %get3A_144 = vector.shape_cast %get3A_143 : vector<1x16xf32> to vector<1x16xf32>
          %add3A_145 = arith.addf %get3A_140, %get3A_144 : vector<1x16xf32>
          %swap3A_146 = arith.index_cast %add3A_110 : i32 to index
          %swap3A_147 = arith.index_cast %add3A_136 : i32 to index
          %swap3A_148 = tpu.vector_load %arg8[%swap3A_146, %swap3A_147] {strides = array<i32>} : memref<8x2048xf32, #tpu.memory_space<vmem>>, vector<1x16xf32>,
          %swap3A_149 = vector.shape_cast %swap3A_148 : vector<1x16xf32> to vector<1x16xf32>
          %swap3A_150 = vector.shape_cast %add3A_145 : vector<1x16xf32> to vector<1x16xf32>
          tpu.vector_store %arg8[%swap3A_146, %swap3A_147], %swap3A_150 {strides = array<i32>} : memref<8x2048xf32, #tpu.memory_space<vmem>>, vector<1x16xf32>,
          %add3A_151 = arith.constant 32 : i32
          %add3A_152 = arith.addi %add3A_120, %add3A_151 : i32
          %get3A_153 = arith.index_cast %add3A_110 : i32 to index
          %get3A_154 = arith.index_cast %add3A_152 : i32 to index
          %get3A_155 = tpu.vector_load %arg8[%get3A_153, %get3A_154] {strides = array<i32>} : memref<8x2048xf32, #tpu.memory_space<vmem>>, vector<1x16xf32>,
          %get3A_156 = vector.shape_cast %get3A_155 : vector<1x16xf32> to vector<1x16xf32>
          %get3A_157 = arith.index_cast %add3A_110 : i32 to index
          %get3A_158 = arith.index_cast %add3A_152 : i32 to index
          %get3A_159 = tpu.vector_load %arg9[%get3A_157, %get3A_158] {strides = array<i32>} : memref<8x2048xf32, #tpu.memory_space<vmem>>, vector<1x16xf32>,
          %get3A_160 = vector.shape_cast %get3A_159 : vector<1x16xf32> to vector<1x16xf32>
          %add3A_161 = arith.addf %get3A_156, %get3A_160 : vector<1x16xf32>
          %swap3A_162 = arith.index_cast %add3A_110 : i32 to index
          %swap3A_163 = arith.index_cast %add3A_152 : i32 to index
          %swap3A_164 = tpu.vector_load %arg8[%swap3A_162, %swap3A_163] {strides = array<i32>} : memref<8x2048xf32, #tpu.memory_space<vmem>>, vector<1x16xf32>,
          %swap3A_165 = vector.shape_cast %swap3A_164 : vector<1x16xf32> to vector<1x16xf32>
          %swap3A_166 = vector.shape_cast %add3A_161 : vector<1x16xf32> to vector<1x16xf32>
          tpu.vector_store %arg8[%swap3A_162, %swap3A_163], %swap3A_166 {strides = array<i32>} : memref<8x2048xf32, #tpu.memory_space<vmem>>, vector<1x16xf32>,
          %add3A_167 = arith.constant 48 : i32
          %add3A_168 = arith.addi %add3A_120, %add3A_167 : i32
          %get3A_169 = arith.index_cast %add3A_110 : i32 to index
          %get3A_170 = arith.index_cast %add3A_168 : i32 to index
          %get3A_171 = tpu.vector_load %arg8[%get3A_169, %get3A_170] {strides = array<i32>} : memref<8x2048xf32, #tpu.memory_space<vmem>>, vector<1x16xf32>,
          %get3A_172 = vector.shape_cast %get3A_171 : vector<1x16xf32> to vector<1x16xf32>
          %get3A_173 = arith.index_cast %add3A_110 : i32 to index
          %get3A_174 = arith.index_cast %add3A_168 : i32 to index
          %get3A_175 = tpu.vector_load %arg9[%get3A_173, %get3A_174] {strides = array<i32>} : memref<8x2048xf32, #tpu.memory_space<vmem>>, vector<1x16xf32>,
          %get3A_176 = vector.shape_cast %get3A_175 : vector<1x16xf32> to vector<1x16xf32>
          %add3A_177 = arith.addf %get3A_172, %get3A_176 : vector<1x16xf32>
          %swap3A_178 = arith.index_cast %add3A_110 : i32 to index
          %swap3A_179 = arith.index_cast %add3A_168 : i32 to index
          %swap3A_180 = tpu.vector_load %arg8[%swap3A_178, %swap3A_179] {strides = array<i32>} : memref<8x2048xf32, #tpu.memory_space<vmem>>, vector<1x16xf32>,
          %swap3A_181 = vector.shape_cast %swap3A_180 : vector<1x16xf32> to vector<1x16xf32>
          %swap3A_182 = vector.shape_cast %add3A_177 : vector<1x16xf32> to vector<1x16xf32>
          tpu.vector_store %arg8[%swap3A_178, %swap3A_179], %swap3A_182 {strides = array<i32>} : memref<8x2048xf32, #tpu.memory_space<vmem>>, vector<1x16xf32>,
        }
        %scan3A_115 = arith.constant 32 : i32
      }
      %scan3A_70 = arith.constant 8 : i32
      %mul3A_71 = arith.constant 8 : i32
      %mul3A_72 = arith.muli %mul3A_37, %mul3A_71 : i32
      %add3A_73 = arith.addi %mul3A_2, %mul3A_72 : i32
      %dma_start3A_74 = arith.constant 0 : i32
      %dma_start3A_75 = tpu.memref_slice %arg5[%add3A_73, %dma_start3A_74] : memref<8192x2048xf32, #tpu.memory_space<hbm>> -> memref<8x2048xf32, #tpu.memory_space<hbm>>
      %dma_start3A_76 = arith.constant 0 : i32
      %dma_start3A_77 = tpu.memref_slice %arg5[%add3A_73, %dma_start3A_76] : memref<8192x2048xf32, #tpu.memory_space<hbm>> -> memref<8x2048xf32, #tpu.memory_space<hbm>>
      tpu.enqueue_dma source(%arg8 : memref<8x2048xf32, #tpu.memory_space<vmem>>) target(%dma_start3A_77 : memref<8x2048xf32, #tpu.memory_space<hbm>>) target_semaphore(%arg16 : memref<!tpu.dma_semaphore, #tpu.memory_space<semaphore_mem>>)
      %dma_wait3A_78 = arith.constant 0 : i32
      %dma_wait3A_79 = tpu.memref_slice %arg6[%add3A_39, %dma_wait3A_78] : memref<32x8xi32, #tpu.memory_space<vmem>> -> memref<1x8xi32, #tpu.memory_space<vmem>>
      %dma_wait3A_80 = tpu.memref_squeeze %dma_wait3A_79 : memref<1x8xi32, #tpu.memory_space<vmem>> -> memref<8xi32, #tpu.memory_space<vmem>>
      %dma_wait3A_81 = arith.constant 0 : i32
      %dma_wait3A_82 = arith.constant 0 : i32
      %dma_wait3A_83 = tpu.memref_slice %arg2[%dma_wait3A_81, %dma_wait3A_82] : memref<18432x2048xf32, #tpu.memory_space<hbm>> -> memref<18432x2048xf32, #tpu.memory_space<hbm>>
      tpu.wait_indirect_dma semaphore(%arg14 : memref<!tpu.dma_semaphore, #tpu.memory_space<semaphore_mem>>) src(%dma_wait3A_83 : memref<18432x2048xf32, #tpu.memory_space<hbm>>) dst(%arg10 : memref<8x2048xf32, #tpu.memory_space<vmem>>)
      %dma_wait3A_84 = arith.constant 0 : i32
      %dma_wait3A_85 = tpu.memref_slice %arg7[%add3A_39, %dma_wait3A_84] : memref<32x8xi32, #tpu.memory_space<vmem>> -> memref<1x8xi32, #tpu.memory_space<vmem>>
      %dma_wait3A_86 = tpu.memref_squeeze %dma_wait3A_85 : memref<1x8xi32, #tpu.memory_space<vmem>> -> memref<8xi32, #tpu.memory_space<vmem>>
      %dma_wait3A_87 = arith.constant 0 : i32
      %dma_wait3A_88 = arith.constant 0 : i32
      %dma_wait3A_89 = tpu.memref_slice %arg2[%dma_wait3A_87, %dma_wait3A_88] : memref<18432x2048xf32, #tpu.memory_space<hbm>> -> memref<18432x2048xf32, #tpu.memory_space<hbm>>
      tpu.wait_indirect_dma semaphore(%arg15 : memref<!tpu.dma_semaphore, #tpu.memory_space<semaphore_mem>>) src(%dma_wait3A_89 : memref<18432x2048xf32, #tpu.memory_space<hbm>>) dst(%arg11 : memref<8x2048xf32, #tpu.memory_space<vmem>>)
      %lt3A = arith.constant 15 : i32
      %lt3A_90 = arith.cmpi slt, %add3A_35, %lt3A : i32
      %convert_element_type3A_91 = arith.extui %lt3A_90 : i1 to i32
      %cond3A_92 = arith.constant 0 : i32
      %cond3A_93 = arith.cmpi ne, %convert_element_type3A_91, %cond3A_92 : i32
      scf.if %cond3A_93 {
        %mul3A_106 = arith.constant 8 : i32
        %mul3A_107 = arith.muli %mul3A_37, %mul3A_106 : i32
        %add3A_108 = arith.addi %mul3A_2, %mul3A_107 : i32
        %dma_wait3A_109 = arith.constant 0 : i32
        %dma_wait3A_110 = tpu.memref_slice %arg5[%add3A_108, %dma_wait3A_109] : memref<8192x2048xf32, #tpu.memory_space<hbm>> -> memref<8x2048xf32, #tpu.memory_space<hbm>>
        %dma_wait3A_111 = arith.constant 0 : i32
        %dma_wait3A_112 = tpu.memref_slice %arg5[%add3A_108, %dma_wait3A_111] : memref<8192x2048xf32, #tpu.memory_space<hbm>> -> memref<8x2048xf32, #tpu.memory_space<hbm>>
        tpu.wait_dma2 semaphore(%arg16 : memref<!tpu.dma_semaphore, #tpu.memory_space<semaphore_mem>>) src(%arg8 : memref<8x2048xf32, #tpu.memory_space<vmem>>) dst(%dma_wait3A_112 : memref<8x2048xf32, #tpu.memory_space<hbm>>)
        %add3A_113 = arith.constant 2 : i32
        %add3A_114 = arith.addi %mul3A_37, %add3A_113 : i32
        %dma_start3A_115 = arith.constant 0 : i32
        %dma_start3A_116 = tpu.memref_slice %arg6[%add3A_114, %dma_start3A_115] : memref<32x8xi32, #tpu.memory_space<vmem>> -> memref<1x8xi32, #tpu.memory_space<vmem>>
        %dma_start3A_117 = tpu.memref_squeeze %dma_start3A_116 : memref<1x8xi32, #tpu.memory_space<vmem>> -> memref<8xi32, #tpu.memory_space<vmem>>
        %dma_start3A_118 = arith.constant 0 : i32
        %dma_start3A_119 = arith.constant 0 : i32
        %dma_start3A_120 = tpu.memref_slice %arg2[%dma_start3A_118, %dma_start3A_119] : memref<18432x2048xf32, #tpu.memory_space<hbm>> -> memref<18432x2048xf32, #tpu.memory_space<hbm>>
        tpu.enqueue_indirect_dma source(%dma_start3A_120 : memref<18432x2048xf32, #tpu.memory_space<hbm>>) target(%arg8 : memref<8x2048xf32, #tpu.memory_space<vmem>>) offsets(%dma_start3A_117 : memref<8xi32, #tpu.memory_space<vmem>>) semaphore(%arg12 : memref<!tpu.dma_semaphore, #tpu.memory_space<semaphore_mem>>)
        %add3A_121 = arith.constant 2 : i32
        %add3A_122 = arith.addi %mul3A_37, %add3A_121 : i32
        %dma_start3A_123 = arith.constant 0 : i32
        %dma_start3A_124 = tpu.memref_slice %arg7[%add3A_122, %dma_start3A_123] : memref<32x8xi32, #tpu.memory_space<vmem>> -> memref<1x8xi32, #tpu.memory_space<vmem>>
        %dma_start3A_125 = tpu.memref_squeeze %dma_start3A_124 : memref<1x8xi32, #tpu.memory_space<vmem>> -> memref<8xi32, #tpu.memory_space<vmem>>
        %dma_start3A_126 = arith.constant 0 : i32
        %dma_start3A_127 = arith.constant 0 : i32
        %dma_start3A_128 = tpu.memref_slice %arg2[%dma_start3A_126, %dma_start3A_127] : memref<18432x2048xf32, #tpu.memory_space<hbm>> -> memref<18432x2048xf32, #tpu.memory_space<hbm>>
        tpu.enqueue_indirect_dma source(%dma_start3A_128 : memref<18432x2048xf32, #tpu.memory_space<hbm>>) target(%arg9 : memref<8x2048xf32, #tpu.memory_space<vmem>>) offsets(%dma_start3A_125 : memref<8xi32, #tpu.memory_space<vmem>>) semaphore(%arg13 : memref<!tpu.dma_semaphore, #tpu.memory_space<semaphore_mem>>)
      } else {
      }
      %scan3A_94 = arith.constant 0 : i32
      %scan3A_95 = arith.constant 8 : i32
      %scan3A_96 = arith.addi %scan3A_94, %scan3A_95 : i32
      %scan3A_97 = arith.constant 1 : i32
      scf.for %scan3A_106 = %scan3A_94 to %scan3A_96 step %scan3A_97  : i32 {
        %mul3A_107 = arith.constant 1 : i32
        %mul3A_108 = arith.muli %scan3A_106, %mul3A_107 : i32
        %add3A_109 = arith.constant 0 : i32
        %add3A_110 = arith.addi %add3A_109, %mul3A_108 : i32
        %scan3A_111 = arith.constant 0 : i32
        %scan3A_112 = arith.constant 32 : i32
        %scan3A_113 = arith.addi %scan3A_111, %scan3A_112 : i32
        %scan3A_114 = arith.constant 1 : i32
        scf.for %scan3A_116 = %scan3A_111 to %scan3A_113 step %scan3A_114  : i32 {
          %mul3A_117 = arith.constant 64 : i32
          %mul3A_118 = arith.muli %scan3A_116, %mul3A_117 : i32
          %add3A_119 = arith.constant 0 : i32
          %add3A_120 = arith.addi %add3A_119, %mul3A_118 : i32
          %add3A_121 = arith.constant 0 : i32
          %add3A_122 = arith.addi %add3A_120, %add3A_121 : i32
          %get3A = arith.index_cast %add3A_110 : i32 to index
          %get3A_123 = arith.index_cast %add3A_122 : i32 to index
          %get3A_124 = tpu.vector_load %arg10[%get3A, %get3A_123] {strides = array<i32>} : memref<8x2048xf32, #tpu.memory_space<vmem>>, vector<1x16xf32>,
          %get3A_125 = vector.shape_cast %get3A_124 : vector<1x16xf32> to vector<1x16xf32>
          %get3A_126 = arith.index_cast %add3A_110 : i32 to index
          %get3A_127 = arith.index_cast %add3A_122 : i32 to index
          %get3A_128 = tpu.vector_load %arg11[%get3A_126, %get3A_127] {strides = array<i32>} : memref<8x2048xf32, #tpu.memory_space<vmem>>, vector<1x16xf32>,
          %get3A_129 = vector.shape_cast %get3A_128 : vector<1x16xf32> to vector<1x16xf32>
          %add3A_130 = arith.addf %get3A_125, %get3A_129 : vector<1x16xf32>
          %swap3A = arith.index_cast %add3A_110 : i32 to index
          %swap3A_131 = arith.index_cast %add3A_122 : i32 to index
          %swap3A_132 = tpu.vector_load %arg10[%swap3A, %swap3A_131] {strides = array<i32>} : memref<8x2048xf32, #tpu.memory_space<vmem>>, vector<1x16xf32>,
          %swap3A_133 = vector.shape_cast %swap3A_132 : vector<1x16xf32> to vector<1x16xf32>
          %swap3A_134 = vector.shape_cast %add3A_130 : vector<1x16xf32> to vector<1x16xf32>
          tpu.vector_store %arg10[%swap3A, %swap3A_131], %swap3A_134 {strides = array<i32>} : memref<8x2048xf32, #tpu.memory_space<vmem>>, vector<1x16xf32>,
          %add3A_135 = arith.constant 16 : i32
          %add3A_136 = arith.addi %add3A_120, %add3A_135 : i32
          %get3A_137 = arith.index_cast %add3A_110 : i32 to index
          %get3A_138 = arith.index_cast %add3A_136 : i32 to index
          %get3A_139 = tpu.vector_load %arg10[%get3A_137, %get3A_138] {strides = array<i32>} : memref<8x2048xf32, #tpu.memory_space<vmem>>, vector<1x16xf32>,
          %get3A_140 = vector.shape_cast %get3A_139 : vector<1x16xf32> to vector<1x16xf32>
          %get3A_141 = arith.index_cast %add3A_110 : i32 to index
          %get3A_142 = arith.index_cast %add3A_136 : i32 to index
          %get3A_143 = tpu.vector_load %arg11[%get3A_141, %get3A_142] {strides = array<i32>} : memref<8x2048xf32, #tpu.memory_space<vmem>>, vector<1x16xf32>,
          %get3A_144 = vector.shape_cast %get3A_143 : vector<1x16xf32> to vector<1x16xf32>
          %add3A_145 = arith.addf %get3A_140, %get3A_144 : vector<1x16xf32>
          %swap3A_146 = arith.index_cast %add3A_110 : i32 to index
          %swap3A_147 = arith.index_cast %add3A_136 : i32 to index
          %swap3A_148 = tpu.vector_load %arg10[%swap3A_146, %swap3A_147] {strides = array<i32>} : memref<8x2048xf32, #tpu.memory_space<vmem>>, vector<1x16xf32>,
          %swap3A_149 = vector.shape_cast %swap3A_148 : vector<1x16xf32> to vector<1x16xf32>
          %swap3A_150 = vector.shape_cast %add3A_145 : vector<1x16xf32> to vector<1x16xf32>
          tpu.vector_store %arg10[%swap3A_146, %swap3A_147], %swap3A_150 {strides = array<i32>} : memref<8x2048xf32, #tpu.memory_space<vmem>>, vector<1x16xf32>,
          %add3A_151 = arith.constant 32 : i32
          %add3A_152 = arith.addi %add3A_120, %add3A_151 : i32
          %get3A_153 = arith.index_cast %add3A_110 : i32 to index
          %get3A_154 = arith.index_cast %add3A_152 : i32 to index
          %get3A_155 = tpu.vector_load %arg10[%get3A_153, %get3A_154] {strides = array<i32>} : memref<8x2048xf32, #tpu.memory_space<vmem>>, vector<1x16xf32>,
          %get3A_156 = vector.shape_cast %get3A_155 : vector<1x16xf32> to vector<1x16xf32>
          %get3A_157 = arith.index_cast %add3A_110 : i32 to index
          %get3A_158 = arith.index_cast %add3A_152 : i32 to index
          %get3A_159 = tpu.vector_load %arg11[%get3A_157, %get3A_158] {strides = array<i32>} : memref<8x2048xf32, #tpu.memory_space<vmem>>, vector<1x16xf32>,
          %get3A_160 = vector.shape_cast %get3A_159 : vector<1x16xf32> to vector<1x16xf32>
          %add3A_161 = arith.addf %get3A_156, %get3A_160 : vector<1x16xf32>
          %swap3A_162 = arith.index_cast %add3A_110 : i32 to index
          %swap3A_163 = arith.index_cast %add3A_152 : i32 to index
          %swap3A_164 = tpu.vector_load %arg10[%swap3A_162, %swap3A_163] {strides = array<i32>} : memref<8x2048xf32, #tpu.memory_space<vmem>>, vector<1x16xf32>,
          %swap3A_165 = vector.shape_cast %swap3A_164 : vector<1x16xf32> to vector<1x16xf32>
          %swap3A_166 = vector.shape_cast %add3A_161 : vector<1x16xf32> to vector<1x16xf32>
          tpu.vector_store %arg10[%swap3A_162, %swap3A_163], %swap3A_166 {strides = array<i32>} : memref<8x2048xf32, #tpu.memory_space<vmem>>, vector<1x16xf32>,
          %add3A_167 = arith.constant 48 : i32
          %add3A_168 = arith.addi %add3A_120, %add3A_167 : i32
          %get3A_169 = arith.index_cast %add3A_110 : i32 to index
          %get3A_170 = arith.index_cast %add3A_168 : i32 to index
          %get3A_171 = tpu.vector_load %arg10[%get3A_169, %get3A_170] {strides = array<i32>} : memref<8x2048xf32, #tpu.memory_space<vmem>>, vector<1x16xf32>,
          %get3A_172 = vector.shape_cast %get3A_171 : vector<1x16xf32> to vector<1x16xf32>
          %get3A_173 = arith.index_cast %add3A_110 : i32 to index
          %get3A_174 = arith.index_cast %add3A_168 : i32 to index
          %get3A_175 = tpu.vector_load %arg11[%get3A_173, %get3A_174] {strides = array<i32>} : memref<8x2048xf32, #tpu.memory_space<vmem>>, vector<1x16xf32>,
          %get3A_176 = vector.shape_cast %get3A_175 : vector<1x16xf32> to vector<1x16xf32>
          %add3A_177 = arith.addf %get3A_172, %get3A_176 : vector<1x16xf32>
          %swap3A_178 = arith.index_cast %add3A_110 : i32 to index
          %swap3A_179 = arith.index_cast %add3A_168 : i32 to index
          %swap3A_180 = tpu.vector_load %arg10[%swap3A_178, %swap3A_179] {strides = array<i32>} : memref<8x2048xf32, #tpu.memory_space<vmem>>, vector<1x16xf32>,
          %swap3A_181 = vector.shape_cast %swap3A_180 : vector<1x16xf32> to vector<1x16xf32>
          %swap3A_182 = vector.shape_cast %add3A_177 : vector<1x16xf32> to vector<1x16xf32>
          tpu.vector_store %arg10[%swap3A_178, %swap3A_179], %swap3A_182 {strides = array<i32>} : memref<8x2048xf32, #tpu.memory_space<vmem>>, vector<1x16xf32>,
        }
        %scan3A_115 = arith.constant 32 : i32
      }
      %scan3A_98 = arith.constant 8 : i32
      %mul3A_99 = arith.constant 8 : i32
      %mul3A_100 = arith.muli %add3A_39, %mul3A_99 : i32
      %add3A_101 = arith.addi %mul3A_2, %mul3A_100 : i32
      %dma_start3A_102 = arith.constant 0 : i32
      %dma_start3A_103 = tpu.memref_slice %arg5[%add3A_101, %dma_start3A_102] : memref<8192x2048xf32, #tpu.memory_space<hbm>> -> memref<8x2048xf32, #tpu.memory_space<hbm>>
      %dma_start3A_104 = arith.constant 0 : i32
      %dma_start3A_105 = tpu.memref_slice %arg5[%add3A_101, %dma_start3A_104] : memref<8192x2048xf32, #tpu.memory_space<hbm>> -> memref<8x2048xf32, #tpu.memory_space<hbm>>
      tpu.enqueue_dma source(%arg10 : memref<8x2048xf32, #tpu.memory_space<vmem>>) target(%dma_start3A_105 : memref<8x2048xf32, #tpu.memory_space<hbm>>) target_semaphore(%arg17 : memref<!tpu.dma_semaphore, #tpu.memory_space<semaphore_mem>>)
    }
    %scan3A_19 = arith.constant 16 : i32
    %add3A_20 = arith.constant 0 : i32
    %add3A_21 = arith.addi %mul3A_2, %add3A_20 : i32
    %dma_wait3A = arith.constant 0 : i32
    %dma_wait3A_22 = tpu.memref_slice %arg5[%add3A_21, %dma_wait3A] : memref<8192x2048xf32, #tpu.memory_space<hbm>> -> memref<8x2048xf32, #tpu.memory_space<hbm>>
    %dma_wait3A_23 = arith.constant 0 : i32
    %dma_wait3A_24 = tpu.memref_slice %arg5[%add3A_21, %dma_wait3A_23] : memref<8192x2048xf32, #tpu.memory_space<hbm>> -> memref<8x2048xf32, #tpu.memory_space<hbm>>
    tpu.wait_dma2 semaphore(%arg16 : memref<!tpu.dma_semaphore, #tpu.memory_space<semaphore_mem>>) src(%arg8 : memref<8x2048xf32, #tpu.memory_space<vmem>>) dst(%dma_wait3A_24 : memref<8x2048xf32, #tpu.memory_space<hbm>>)
    %add3A_25 = arith.constant 0 : i32
    %add3A_26 = arith.addi %mul3A_2, %add3A_25 : i32
    %dma_wait3A_27 = arith.constant 0 : i32
    %dma_wait3A_28 = tpu.memref_slice %arg5[%add3A_26, %dma_wait3A_27] : memref<8192x2048xf32, #tpu.memory_space<hbm>> -> memref<8x2048xf32, #tpu.memory_space<hbm>>
    %dma_wait3A_29 = arith.constant 0 : i32
    %dma_wait3A_30 = tpu.memref_slice %arg5[%add3A_26, %dma_wait3A_29] : memref<8192x2048xf32, #tpu.memory_space<hbm>> -> memref<8x2048xf32, #tpu.memory_space<hbm>>
    tpu.wait_dma2 semaphore(%arg17 : memref<!tpu.dma_semaphore, #tpu.memory_space<semaphore_mem>>) src(%arg10 : memref<8x2048xf32, #tpu.memory_space<vmem>>) dst(%dma_wait3A_30 : memref<8x2048xf32, #tpu.memory_space<hbm>>)
    return
  }
}

module attributes {stable_mosaic.version = 14 : i64} {
  func.func @moe_mm(%arg0: i32, %arg1: memref<72xi32, #tpu.memory_space<smem>>, %arg2: memref<72xi32, #tpu.memory_space<smem>>, %arg3: memref<256x2048xf32, #tpu.memory_space<vmem>>, %arg4: memref<1x2048x2048xbf16, #tpu.memory_space<vmem>>, %arg5: memref<1x2048x1024xbf16, #tpu.memory_space<vmem>>, %arg6: memref<256x1xf32, #tpu.memory_space<vmem>>, %arg7: memref<256x2048xf32, #tpu.memory_space<vmem>>) attributes {dimension_semantics = [#tpu.dimension_semantics<arbitrary>], iteration_bounds = array<i64: 72>, scalar_prefetch = 2 : i64, scratch_operands = 0 : i64, tpu.core_type = #tpu.core_type<tc>, window_params = [{transform_indices = @transform_0, window_bounds = array<i64: 256, 2048>}, {transform_indices = @transform_1, window_bounds = array<i64: 1, 2048, 2048>}, {transform_indices = @transform_2, window_bounds = array<i64: 1, 2048, 1024>}, {transform_indices = @transform_3, window_bounds = array<i64: 256, 1>}, {transform_indices = @transform_4, window_bounds = array<i64: 256, 2048>}]} {
    %get3A = arith.index_cast %arg0 : i32 to index
    %get3A_0 = memref.load %arg2[%get3A] : memref<72xi32, #tpu.memory_space<smem>>
    %eq3A = arith.constant 1 : i32
    %eq3A_1 = arith.cmpi eq, %get3A_0, %eq3A : i32
    %convert_element_type3A = arith.extui %eq3A_1 : i1 to i32
    %cond3A = arith.constant 0 : i32
    %cond3A_2 = arith.cmpi ne, %convert_element_type3A, %cond3A : i32
    scf.if %cond3A_2 {
      %get3A_10 = arith.constant 0 : index
      %get3A_11 = arith.constant 0 : index
      %get3A_12 = vector.load %arg3[%get3A_10, %get3A_11] : memref<256x2048xf32, #tpu.memory_space<vmem>>, vector<256x2048xf32>
      %convert_element_type3A_13 = arith.truncf %get3A_12 : vector<256x2048xf32> to vector<256x2048xbf16>
      %get3A_14 = arith.constant 0 : index
      %get3A_15 = arith.constant 0 : index
      %get3A_16 = arith.constant 0 : index
      %get3A_17 = vector.load %arg4[%get3A_14, %get3A_15, %get3A_16] : memref<1x2048x2048xbf16, #tpu.memory_space<vmem>>, vector<1x2048x2048xbf16>
      %get3A_18 = vector.shape_cast %get3A_17 : vector<1x2048x2048xbf16> to vector<2048x2048xbf16>
      %dot_general3A = arith.constant dense<0.000000e+00> : vector<256x2048xf32>
      %dot_general3A_19 = tpu.matmul %convert_element_type3A_13, %get3A_18, %dot_general3A {dimension_numbers = #tpu.dot_dimension_numbers<[1], [1], [0], [0], [0, 0, 1, 0], [], []>, transpose_lhs_hint = false} : vector<256x2048xbf16>, vector<2048x2048xbf16>, vector<256x2048xf32> -> vector<256x2048xf32>
      %slice3A = vector.extract_strided_slice %dot_general3A_19 {offsets = [0, 0], sizes = [256, 1024], strides = [1, 1]} : vector<256x2048xf32> to vector<256x1024xf32>
      %slice3A_20 = vector.extract_strided_slice %dot_general3A_19 {offsets = [0, 1024], sizes = [256, 1024], strides = [1, 1]} : vector<256x2048xf32> to vector<256x1024xf32>
      %logistic3A = arith.negf %slice3A : vector<256x1024xf32>
      %logistic3A_21 = math.exp %logistic3A : vector<256x1024xf32>
      %logistic3A_22 = arith.constant 1.000000e+00 : f32
      %logistic3A_23 = vector.broadcast %logistic3A_22 : f32 to vector<256x1024xf32>
      %logistic3A_24 = arith.addf %logistic3A_23, %logistic3A_21 : vector<256x1024xf32>
      %logistic3A_25 = arith.divf %logistic3A_23, %logistic3A_24 : vector<256x1024xf32>
      %mul3A = arith.mulf %slice3A, %logistic3A_25 : vector<256x1024xf32>
      %mul3A_26 = arith.mulf %mul3A, %slice3A_20 : vector<256x1024xf32>
      %convert_element_type3A_27 = arith.truncf %mul3A_26 : vector<256x1024xf32> to vector<256x1024xbf16>
      %get3A_28 = arith.constant 0 : index
      %get3A_29 = arith.constant 0 : index
      %get3A_30 = arith.constant 0 : index
      %get3A_31 = vector.load %arg5[%get3A_28, %get3A_29, %get3A_30] : memref<1x2048x1024xbf16, #tpu.memory_space<vmem>>, vector<1x2048x1024xbf16>
      %get3A_32 = vector.shape_cast %get3A_31 : vector<1x2048x1024xbf16> to vector<2048x1024xbf16>
      %dot_general3A_33 = arith.constant dense<0.000000e+00> : vector<256x2048xf32>
      %dot_general3A_34 = tpu.matmul %convert_element_type3A_27, %get3A_32, %dot_general3A_33 {dimension_numbers = #tpu.dot_dimension_numbers<[1], [1], [0], [0], [0, 0, 1, 0], [], []>, transpose_lhs_hint = false} : vector<256x1024xbf16>, vector<2048x1024xbf16>, vector<256x2048xf32> -> vector<256x2048xf32>
      %get3A_35 = arith.constant 0 : index
      %get3A_36 = arith.constant 0 : index
      %get3A_37 = vector.load %arg6[%get3A_35, %get3A_36] : memref<256x1xf32, #tpu.memory_space<vmem>>, vector<256x1xf32>
      %mul3A_38 = vector.broadcast %get3A_37 : vector<256x1xf32> to vector<256x2048xf32>
      %mul3A_39 = arith.mulf %dot_general3A_34, %mul3A_38 : vector<256x2048xf32>
      %swap3A = arith.constant 0 : index
      %swap3A_40 = arith.constant 0 : index
      %swap3A_41 = vector.load %arg7[%swap3A, %swap3A_40] : memref<256x2048xf32, #tpu.memory_space<vmem>>, vector<256x2048xf32>
      tpu.vector_store %arg7[%swap3A, %swap3A_40], %mul3A_39 {strides = array<i32>} : memref<256x2048xf32, #tpu.memory_space<vmem>>, vector<256x2048xf32>,
    } else {
    }
    %get3A_3 = arith.index_cast %arg0 : i32 to index
    %get3A_4 = memref.load %arg2[%get3A_3] : memref<72xi32, #tpu.memory_space<smem>>
    %eq3A_5 = arith.constant 0 : i32
    %eq3A_6 = arith.cmpi eq, %get3A_4, %eq3A_5 : i32
    %convert_element_type3A_7 = arith.extui %eq3A_6 : i1 to i32
    %cond3A_8 = arith.constant 0 : i32
    %cond3A_9 = arith.cmpi ne, %convert_element_type3A_7, %cond3A_8 : i32
    scf.if %cond3A_9 {
      %broadcast_in_dim3A = arith.constant 0.000000e+00 : f32
      %broadcast_in_dim3A_10 = vector.broadcast %broadcast_in_dim3A : f32 to vector<256x2048xf32>
      %swap3A = arith.constant 0 : index
      %swap3A_11 = arith.constant 0 : index
      %swap3A_12 = vector.load %arg7[%swap3A, %swap3A_11] : memref<256x2048xf32, #tpu.memory_space<vmem>>, vector<256x2048xf32>
      tpu.vector_store %arg7[%swap3A, %swap3A_11], %broadcast_in_dim3A_10 {strides = array<i32>} : memref<256x2048xf32, #tpu.memory_space<vmem>>, vector<256x2048xf32>,
    } else {
    }
    return
  }
  func.func @transform_0(%arg0: i32, %arg1: memref<72xi32, #tpu.memory_space<smem>>, %arg2: memref<72xi32, #tpu.memory_space<smem>>) -> (i32, i32) {
    %c0_i32 = arith.constant 0 : i32
    %c0_i32_0 = arith.constant 0 : i32
    return %arg0, %c0_i32 : i32, i32
  }
  func.func @transform_1(%arg0: i32, %arg1: memref<72xi32, #tpu.memory_space<smem>>, %arg2: memref<72xi32, #tpu.memory_space<smem>>) -> (i32, i32, i32) {
    %get3A = arith.index_cast %arg0 : i32 to index
    %get3A_0 = memref.load %arg1[%get3A] : memref<72xi32, #tpu.memory_space<smem>>
    %c0_i32 = arith.constant 0 : i32
    %c0_i32_1 = arith.constant 0 : i32
    %c0_i32_2 = arith.constant 0 : i32
    return %get3A_0, %c0_i32, %c0_i32_1 : i32, i32, i32
  }
  func.func @transform_2(%arg0: i32, %arg1: memref<72xi32, #tpu.memory_space<smem>>, %arg2: memref<72xi32, #tpu.memory_space<smem>>) -> (i32, i32, i32) {
    %get3A = arith.index_cast %arg0 : i32 to index
    %get3A_0 = memref.load %arg1[%get3A] : memref<72xi32, #tpu.memory_space<smem>>
    %c0_i32 = arith.constant 0 : i32
    %c0_i32_1 = arith.constant 0 : i32
    %c0_i32_2 = arith.constant 0 : i32
    return %get3A_0, %c0_i32, %c0_i32_1 : i32, i32, i32
  }
  func.func @transform_3(%arg0: i32, %arg1: memref<72xi32, #tpu.memory_space<smem>>, %arg2: memref<72xi32, #tpu.memory_space<smem>>) -> (i32, i32) {
    %c0_i32 = arith.constant 0 : i32
    %c0_i32_0 = arith.constant 0 : i32
    return %arg0, %c0_i32 : i32, i32
  }
  func.func @transform_4(%arg0: i32, %arg1: memref<72xi32, #tpu.memory_space<smem>>, %arg2: memref<72xi32, #tpu.memory_space<smem>>) -> (i32, i32) {
    %c0_i32 = arith.constant 0 : i32
    %c0_i32_0 = arith.constant 0 : i32
    return %arg0, %c0_i32 : i32, i32
  }
}

</mosaic_0001>

<sc_bundles>
// kernel: gather_offload_async_start.1
scs
__scs_entry_jumppad:
0x0: {  	(pc) =	sbr.rel $0x88, $3  }
0x1: {  	(tag) =	ssettag $0x0;
	lr =	simm.s32 $0x1  }
0x2: {  	[smem:$0x3F9C] =	sst lr;
	_ =	strace $0xD0000000  }
0x3: {  	_ = 	snop  }
0x4: {  	_ = 	snop  }
0x5: {  	_ = 	snop  }
0x6: {  	_ = 	snop  }
0x7: {  	_ = 	snop  }
__scs_overlays_trampoline_lowered:
0x8: {  	[smem:$0x3FAB] =	sst s0  }
0x9: {  	[smem:$0x3FAC] =	sst s1  }
0xa: {  	[smem:$0x3FAD] =	sst s2  }
0xb: {  	[smem:$0x3FAE] =	sst s3  }
0xc: {  	[smem:$0x3FAF] =	sst s4  }
0xd: {  	[smem:$0x3FB0] =	sst s5  }
0xe: {  	[smem:$0x3FB1] =	sst s6  }
0xf: {  	[smem:$0x3FB2] =	sst s7  }
0x10: {  	[smem:$0x3FB3] =	sst s8  }
0x11: {  	[smem:$0x3FB4] =	sst s9;
	s0 =	simm.s32 @!p0 $0x0  }
0x12: {  	s1 =	sld [smem:$0x3F9A];
	s0 =	simm.s32 @p0 $0x1  }
0x13: {  	[smem:$0x3FB5] =	sst s0;
	s0 =	simm.s32 @!p1 $0x0  }
0x14: {  	s2 =	sld [smem:$0x3F99];
	s0 =	simm.s32 @p1 $0x1  }
0x15: {  	[smem:$0x3FB6] =	sst s0;
	s0 =	simm.s32 @!p2 $0x0  }
0x16: {  	s3 =	sld [smem:$0x3FDB];
	s0 =	simm.s32 @p2 $0x1  }
0x17: {  	s4 =	simm.s32 $0x1BF5;
	[smem:$0x3FB8] =	sst s0  }
0x18: {  	s0 =	sld [smem:$0x3F9B];
	_ =	swait.ge [sflag:s4], $0x0  }
0x19: {  	s7 =	sld [smem:$0x3F9C]  }
0x1a: {  	s8 =	sadd.s32 $0xFFFFE003, lr  }
0x1b: {  	s9 =	sadd.s32 $0xFFFFFEF7, lr;
	s5 =	simm.s32 $0xFFFFFFFF;
	p2 =	slt.u32 s8, $0xFFFFF086  }
0x1c: {  	p1 =	slt.u32 s9, $0xF7A;
	s5 =	simm.s32 @!p2 $0x0  }
0x1d: {  	s5 =	simm.s32 @p1 $0x1;
	p0 =	seq.s32 s7, s2  }
0x1e: {  	s7 =	smul.u32 @!p0 $0xF7A, s2;
	p2 =	seq.s32 @!p0 s5, $0x0  }
0x1f: {  	s9 =	smul.u32 $0xF7A, s1;
	s8 =	simm.s32 @!p0 $0x1BF5;
	p2 =	por !p2, p0  }
0x20: {  	[sflag:s8] =	ssyncset.s32 @!p0 $0xFFFFF086;
	s6 =	sadd.s32 @!p0 s3, s7;
	s7 =	simm.s32 @!p0 $0x108  }
0x21: {  	s3 =	sadd.s32 s3, s9;
	s6 =	sadd.s32 @!p0 $0x88, s6;
	s7 =	simm.s32 @p2 $0x1082  }
0x22: {  	[simem:s7], [sflag:s8] =	dma.local @!p0 [hbm:s6], $0xF7A  }
0x23: {  	s9 =	sor.u32 $0xD0000000, s2;
	s6 =	simm.s32 $0x108;
	_ =	swait.ge @!p0 [sflag:s8], $0x0  }
0x24: {  	s3 =	sadd.s32 $0x88, s3;
	s6 =	simm.s32 @!p1 $0x1082;
	[sflag:s4] =	ssyncset.s32 $0xFFFFF086  }
0x25: {  	[simem:s6], [sflag:s4] =	dma.local [hbm:s3], $0xF7A  }
0x26: {  	[smem:$0x3F9C] =	sst s1;
	(tag) =	ssettag s2;
	_ =	strace s9  }
0x27: {  	s1 =	sld [smem:$0x3FAC]  }
0x28: {  	s2 =	sld [smem:$0x3FAD]  }
0x29: {  	s4 =	sld [smem:$0x3FAF]  }
0x2a: {  	p0 =	seq.s32 s5, $0x0;
	s5 =	sld [smem:$0x3FB0]  }
0x2b: {  	s6 =	sld [smem:$0x3FB1]  }
0x2c: {  	s7 =	sld [smem:$0x3FB2]  }
0x2d: {  	s3 =	simm.s32 $0x108;
	s8 =	sld [smem:$0x3FB3]  }
0x2e: {  	s3 =	simm.s32 @!p0 $0x1082;
	s9 =	sld [smem:$0x3FB4]  }
0x2f: {  	lr =	sadd.s32 s0, s3;
	s0 =	sld [smem:$0x3FAB]  }
0x30: {  	s3 =	sld [smem:$0x3FAE]  }
0x31: {  	[smem:$0x3FB7] =	sst s10  }
0x32: {  	s10 =	sld [smem:$0x3FB5];
	_ =	sdelay $0x3  }
0x33: {  	p0 =	seq.s32 s10, $0x1;
	s10 =	sld [smem:$0x3FB7];
	_ =	sdelay $0x3  }
0x34: {  	[smem:$0x3FB7] =	sst s10  }
0x35: {  	s10 =	sld [smem:$0x3FB6];
	_ =	sdelay $0x3  }
0x36: {  	p1 =	seq.s32 s10, $0x1;
	s10 =	sld [smem:$0x3FB7];
	_ =	sdelay $0x3  }
0x37: {  	[smem:$0x3FB7] =	sst s10  }
0x38: {  	s10 =	sld [smem:$0x3FB8]  }
0x39: {  	_ = 	snop;
	(pc) =	sbr.ind lr, $3  }
0x3a: {  	_ = 	snop  }
0x3b: {  	_ = 	snop  }
0x3c: {  	p2 =	seq.s32 s10, $0x1;
	s10 =	sld [smem:$0x3FB7]  }
0x3d: {  	_ =	shalt  }
0x3e: {  	_ =	shalt  }
0x3f: {  	_ =	shalt  }
0x40: {  	_ =	shalt  }
0x41: {  	_ =	shalt  }
0x42: {  	_ =	shalt  }
0x43: {  	_ =	shalt  }
0x44: {  	_ =	shalt  }
0x45: {  	_ =	shalt  }
0x46: {  	_ =	shalt  }
0x47: {  	_ =	shalt  }
0x48: {  	_ =	shalt  }
0x49: {  	_ =	shalt  }
0x4a: {  	_ =	shalt  }
0x4b: {  	_ =	shalt  }
0x4c: {  	_ =	shalt  }
0x4d: {  	_ =	shalt  }
0x4e: {  	_ =	shalt  }
0x4f: {  	_ =	shalt  }
0x50: {  	_ =	shalt  }
0x51: {  	_ =	shalt  }
0x52: {  	_ =	shalt  }
0x53: {  	_ =	shalt  }
0x54: {  	_ =	shalt  }
0x55: {  	_ =	shalt  }
0x56: {  	_ =	shalt  }
0x57: {  	_ =	shalt  }
0x58: {  	_ =	shalt  }
0x59: {  	_ =	shalt  }
0x5a: {  	_ =	shalt  }
0x5b: {  	_ =	shalt  }
0x5c: {  	_ =	shalt  }
0x5d: {  	_ =	shalt  }
0x5e: {  	_ =	shalt  }
0x5f: {  	_ =	shalt  }
0x60: {  	_ =	shalt  }
0x61: {  	_ =	shalt  }
0x62: {  	_ =	shalt  }
0x63: {  	_ =	shalt  }
0x64: {  	_ =	shalt  }
0x65: {  	_ =	shalt  }
0x66: {  	_ =	shalt  }
0x67: {  	_ =	shalt  }
0x68: {  	_ =	shalt  }
0x69: {  	_ =	shalt  }
0x6a: {  	_ =	shalt  }
0x6b: {  	_ =	shalt  }
0x6c: {  	_ =	shalt  }
0x6d: {  	_ =	shalt  }
0x6e: {  	_ =	shalt  }
0x6f: {  	_ =	shalt  }
0x70: {  	_ =	shalt  }
0x71: {  	_ =	shalt  }
0x72: {  	_ =	shalt  }
0x73: {  	_ =	shalt  }
0x74: {  	_ =	shalt  }
0x75: {  	_ =	shalt  }
0x76: {  	_ =	shalt  }
0x77: {  	_ =	shalt  }
0x78: {  	_ =	shalt  }
0x79: {  	_ =	shalt  }
0x7a: {  	_ =	shalt  }
0x7b: {  	_ =	shalt  }
0x7c: {  	_ =	shalt  }
0x7d: {  	_ =	shalt  }
0x7e: {  	_ =	shalt  }
0x7f: {  	_ =	shalt  }
0x80: {  	_ =	shalt  }
0x81: {  	_ =	shalt  }
0x82: {  	_ =	shalt  }
0x83: {  	_ =	shalt  }
0x84: {  	_ =	shalt  }
0x85: {  	_ =	shalt  }
0x86: {  	_ =	shalt  }
0x87: {  	_ =	shalt  }
.Lfunc_end0:
.L_simem_size_0:
called_computation.2_lowered:
.L_overlay_start_0:
0x88: {  	s2 =	sld [smem:$0x3FD9]  }
0x89: {  	s3 =	sld [smem:$0x3FFE];
	_ =	sdelay $0x1  }
0x8a: {  	s1 =	srdreg.scid  }
0x8b: {  	s0 =	sand.u32 $0x1, s1  }
0x8c: {  	s16 =	sshll.u32 s0, $0xA;
	s2 =	sadd.s32 s3, s2  }
0x8d: {  	s2 =	sadd.s32 s2, s16  }
0x8e: {  	[smem:$0x3FC3] =	sst s2  }
0x8f: {  	_ = 	snop  }
0x90: {  	(tm) =	ssettm $0x1  }
0x91: {  	s17 =	sld [smem:$0x3FFB];
	_ =	sdelay $0x3  }
0x92: {  	_ =	strace s17  }
0x93: {  	s2 =	sld [smem:$0x3FFC];
	_ =	sdelay $0x3  }
0x94: {  	_ =	strace s2  }
0x95: {  	s2 =	sld [smem:$0x3FFD];
	_ =	sdelay $0x3  }
0x96: {  	_ =	strace s2  }
0x97: {  	_ =	strace $0x8FFFFFFF  }
0x98: {  	s18 =	sld [smem:$0x3FDB];
	_ =	sdelay $0x1  }
0x99: {  	s19 =	simm.s32 $_scs_section_size  }
0x9a: {  	s4 =	simm.s32 $_size__tile_overlayer_lowered;
	s5 =	simm.s32 $_tile_overlayer_lowered  }
0x9b: {  	s22 =	simm.s32 $0x1BFF;
	s21 =	sshll.u32 s5, $0x1;
	s2 =	sadd.s32 s19, s18  }
0x9c: {  	s6 =	simm.s32 $0x0;
	s20 =	sshll.u32 s4, $0x1;
	s4 =	sadd.s32 s21, s2  }
0x9d: {  	[timem:s6], [sflag:s22] =	dma.local [hbm:s4], s20  }
0x9e: {  	_ =	swait.ge [sflag:s22], s20  }
0x9f: {  	s3 =	ssub.s32 $0x0, s20;
	[sflag:s22] =	ssyncset.done $0x0  }
0xa0: {  	[sflag:s22] =	ssyncadd.s32 s3;
	_ =	sdelay $0x1  }
0xa1: {  	s23 =	simm.s32 $0x1B8B  }
0xa2: {  	_ =	swait.ge [sflag:s23], $0x1  }
0xa3: {  	[sflag:s23] =	ssyncset.done $0x0  }
0xa4: {  	s25 =	simm.s32 $0x1B8E;
	s24 =	sld [smem:$0x3FFE];
	[sflag:s23] =	ssyncadd.s32 $0xFFFFFFFF  }
0xa5: {  	s26 =	simm.s32 $execute0_lowered;
	[smem:$0x3FD2] =	sst s25  }
0xa6: {  	s4 =	sshll.u32 s26, $0x1;
	_ =	strace $0x8000004C;
	[dreg:$0x1] =	wrdreg $0xFFFFFFFF  }
0xa7: {  	s28 =	simm.s32 $_size_execute0_lowered;
	s2 =	sadd.s32 s2, s4;
	[dreg:$0x0] =	wrdreg $0x0  }
0xa8: {  	s4 =	sshll.u32 s28, $0x1;
	[dreg:$0x2] =	wrdreg s2  }
0xa9: {  	[dreg:$0x3] =	wrdreg s4  }
0xaa: {  	[dreg:$0x4] =	wrdreg $0xC0  }
0xab: {  	_ =	task [dreg:s6], $0x5FFFF  }
0xac: {  	[dreg:$0x1] =	wrdreg $0xFFFFFFFF  }
0xad: {  	[dreg:$0x0] =	wrdreg $0x60  }
0xae: {  	[dreg:$0x2] =	wrdreg s24  }
0xaf: {  	[dreg:$0x3] =	wrdreg $0x9  }
0xb0: {  	_ =	task.clear_ibuf [dreg:s6], $0x4FFFF;
	_ =	strace $0x9000004C  }
0xb1: {  	s29 =	simm.s32 $0x9;
	_ =	strace $0x8000004E  }
0xb2: {  	_ =	swait.ge [sflag:s29], $0x1  }
0xb3: {  	[sflag:s29] =	ssyncadd.s32 $0xFFFFFFFF  }
0xb4: {  	_ =	strace $0x9000004E  }
0xb5: {  	_ =	sfence  }
0xb6: {  	s30 =	sld [smem:$0x0];
	_ =	sdelay $0x2  }
0xb7: {  	s31 =	sshll.u32 s1, $0xD;
	s1 =	sshrl.u32 s1, $0x2  }
0xb8: {  	s3 =	sand.u32 $0x4000, s31;
	s1 =	sadd.s32 s1, s30  }
0xb9: {  	s0 =	sor.u32 s3, s0;
	s1 =	sshll.u32 s1, $0x11  }
0xba: {  	s0 =	sor.u32 s1, s0  }
0xbb: {  	s0 =	sadd.s32 $0x8F2B, s0  }
0xbc: {  	[sflag:s0] =	ssyncadd.remote.s32 $0x1  }
0xbd: {  	_ =	sfence.sel $0xFFFF  }
0xbe: {  	[dreg:$0x0] =	wrdreg $0xFFFFFFFF;
	(pc) =	sbr.abs _section_cstart, $3  }
0xbf: {  	[dreg:$0x1] =	wrdreg $0xFFFFFFFF  }
0xc0: {  	_ =	task.clear_ibuf [dreg:s6], $0x2FFFF;
	_ =	strace $0x9FFFFFFF  }
0xc1: {  	(tm) =	ssettm $0x7FFFFFFF  }
tec
execute0_lowered:
.L_overlay_start_1:
0x0: {  	(tag) =	ssettag $0x1  }
0x1: {  	s0 =	srdreg.scid;
	s5 =	rddreg [dreg:$0x0]  }
0x2: {  	s1 =	stileid.u32;
	s6 =	simm.s32 $0x1;
	s9 =	simm.s32 $0x1  }
0x3: {  	s10 =	simm.s32 $0x3;
	s13 =	simm.s32 $0x0;
	s2 =	sshll.u32 s0, $0x8  }
0x4: {  	s12 =	simm.s32 $0x0;
	s3 =	sshll.u32 s1, $0x9;
	s2 =	sand.u32 $0x100, s2  }
0x5: {  	s0 =	rddreg [dreg:$0x1];
	_ =	strace $0x8000004D;
	s2 =	sor.u32 s3, s2  }
0x6: {  	s4 =	sadd.s32 $0x1800, s5;
	[sflag:s6] =	ssyncpa.u1 $0x0;
	s8 =	ssub.s32 $0x4000, s2  }
.Ltmp0:
0x7: {  	s3 =	sadd.s32 $0x2A00, s5;
	s7 =	sand.u32 $0x1F00, s8;
	(pc) =	sbr.rel .LBB2_1-.Ltmp0, $4  }
0x8: {  	s5 =	sadd.s32 $0x800, s5;
	s11 =	smov.u32 s2;
	p0 =	sne.s32 s7, $0x0  }
0x9: {  	s8 =	sshrl.u32 s8, $0xD;
	s7 =	simm.s32 $0x2;
	s9 =	simm.s32 @!p0 $0x0  }
0xa: {  	[sflag:s7] =	ssyncpa.u1 $0x0;
	p0 =	por $0x0, $0x0;
	s8 =	sadd.s32 s9, s8  }
0xb: {  	vm0 =	vmmov $0xffff;
	[sflag:s10] =	ssyncpa.u1 $0x0;
	s10 =	simm.s32 $0x0;
	s9 =	sadd.s32 $0x1, s8  }
.LBB2_4:
0xc: {  	v2 =	vnsel vm1, $0x0, v2  }
0xd: {  	vm1 =	vgt.s32 v0, $0x0;
	v2 =	vmin.u32 v2, $0x3FFF  }
0xe: {  	v0 =	vnsel vm1, $0x0, v0  }
0xf: {  	v0 =	vmin.u32 v0, $0x3FFF  }
0x10: {  	[tilespmem:s15], [sflag:$0x1] =	stream.indirect_vreg.gather [hbm4b:s3+s10], $0x1, v1, vm0, $0x4038;
	[tilespmem:$0x400] =	vst v63  }
0x11: {  	(ifvalue) =	ssetifvalue $0x7FFFFFFF  }
0x12: {  	[tilespmem:s16], [sflag:$0x1] =	stream.indirect_vreg.gather [hbm4b:s3+s10], $0x1, v2, vm0, $0x4038;
	[tilespmem:$0x400] =	vst v63  }
0x13: {  	s29 =	sadd.s32 $0x10, s16;
	(ifvalue) =	ssetifvalue $0x7FFFFFFF  }
0x14: {  	[tilespmem:s29], [sflag:$0x1] =	stream.indirect_vreg.gather [hbm4b:s3+s10], $0x1, v0, vm0, $0x4038;
	[tilespmem:$0x400] =	vst v63  }
0x15: {  	_ =	swait.ge [sflag:s6], $0x100  }
0x16: {  	s30 =	sshrl.u32 s13, $0x3;
	[sflag:s6] =	ssyncset.done $0x0  }
0x17: {  	s31 =	sand.u32 $0x7, s13;
	s15 =	sadd.s32 s5, s30;
	[sflag:s6] =	ssyncadd.s32 $0xFFFFFF00  }
0x18: {  	[hbm4b:s15+s31] =	stream.linear.scatter [tilespmem:s14], [sflag:$0x3], $0x100, $0x38;
	[tilespmem:$0x400] =	vst v63  }
.LBB2_5:
0x19: {  	s15 =	sadd.s32 $0x2000, s11  }
0x1a: {  	p2 =	sgt.s32 s15, $0x3FFF  }
0x1b: {  	s15 =	smov.u32 @p2 s2;
	p2 =	sne.s32 s12, s9  }
.Ltmp1:
0x1c: {  	p1 =	slt.u32 s12, $0x2;
	(pc) =	sbr.rel @!p2 .LBB2_6-.Ltmp1, $4  }
0x1d: {  	s14 =	simm.s32 @!p1 $0x3  }
0x1e: {  	s16 =	sadd.s32 $0x1, s12;
	_ =	swait.ge @!p1 [sflag:s14], $0x100  }
0x1f: {  	s13 =	smov.u32 s11;
	p0 =	por !p0, !p0;
	[sflag:s14] =	ssyncset.done @!p1 $0x0  }
0x20: {  	s12 =	smov.u32 s16;
	s11 =	smov.u32 s15;
	[sflag:s14] =	ssyncadd.s32 @!p1 $0xFFFFFF00  }
.LBB2_1:
0x21: {  	p1 =	sge.u32 s12, s8  }
0x22: {  	s14 =	sxor.u32 @!p1 $0xFFFFFFFF, s12  }
0x23: {  	s31 =	sadd.s32 $0xFFFFFFFF, s12;
	s15 =	sshrl.u32 @!p1 s11, $0x3;
	s14 =	sshll.u32 @!p1 s14, $0x8  }
0x24: {  	s16 =	sand.u32 @!p1 $0x7, s11;
	s15 =	sadd.s32 @!p1 s4, s15;
	s14 =	sand.u32 @!p1 $0x100, s14  }
0x25: {  	[tilespmem:s14], [sflag:$0x2] =	stream.linear.gather @!p1 [hbm4b:s15+s16], $0x100, $0x38;
	[tilespmem:$0x400] =	vst v63  }
0x26: {  	p1 =	sge.u32 s31, s8  }
.Ltmp2:
0x27: {  	_ = 	snop;
	(pc) =	sbr.rel @p1 .LBB2_5-.Ltmp2, $1  }
0x28: {  	_ =	sdelay $0x3  }
0x29: {  	s14 =	simm.s32 $0x1  }
0x2a: {  	_ =	swait.ge [sflag:s7], $0x100;
	s14 =	simm.s32 @!p0 $0x0  }
0x2b: {  	[sflag:s7] =	ssyncset.done $0x0;
	s14 =	sshll.u32 s14, $0x8  }
0x2c: {  	[sflag:s7] =	ssyncadd.s32 $0xFFFFFF00;
	(ifvalue) =	ssetifvalue $0x7FFFFFFF;
	v0 =	vld.msk [tilespmem:s14+$0x0 ss:$0x1], $0xffff;
	_ =	sdelay $0x4  }
0x2d: {  	s15 =	sadd.s32 $0x10, s14;
	vm1 =	vgt.s32 v0, $0x0  }
0x2e: {  	v2 =	vld.msk [tilespmem:s15+$0x0 ss:$0x1], $0xffff;
	v1 =	vnsel vm1, $0x0, v0  }
0x2f: {  	v1 =	vmin.u32 v1, $0x3FFF;
	_ =	sdelay $0x1  }
0x30: {  	s16 =	sshll.u32 s12, $0x8;
	s18 =	simm.s32 $0x20  }
0x31: {  	s16 =	sand.u32 $0x100, s16;
	s17 =	sadd.s32 $0x10, s15;
	s15 =	sor.u32 $0x200, s14  }
0x32: {  	s14 =	sor.u32 $0x200, s16;
	s16 =	sadd.s32 $0x10, s15;
	v0 =	vld.msk [tilespmem:s17+$0x0 ss:$0x1], $0xffff;
	vm1 =	vgt.s32 v2, $0x0;
	(ifvalue) =	ssetifvalue $0x7FFFFFFF  }
.LBB2_3:
0x33: {  	[tilespmem:s15], [sflag:$0x1] =	stream.indirect_vreg.gather [hbm4b:s3+s10], $0x1, v1, vm0, $0x4038;
	[tilespmem:$0x400] =	vst v63  }
0x34: {  	s18 =	sadd.s32 $0x10, s18  }
0x35: {  	v2 =	vnsel vm1, $0x0, v2;
	p1 =	slt.u32 s18, $0xF0  }
.Ltmp3:
0x36: {  	s15 =	smov.u32 s16;
	v1 =	vmin.u32 v2, $0x3FFF;
	(pc) =	sbr.rel @p1 .LBB2_3-.Ltmp3, $3  }
0x37: {  	_ =	sdelay $0x1  }
0x38: {  	s17 =	sadd.s32 $0x10, s17  }
0x39: {  	vm1 =	vgt.s32 v0, $0x0;
	s16 =	sadd.s32 $0x10, s16;
	v2 =	vmov v0;
	(ifvalue) =	ssetifvalue $0x7FFFFFFF;
	v0 =	vld.msk [tilespmem:s17+$0x0 ss:$0x1], $0xffff  }
.Ltmp4:
0x3a: {  	_ = 	snop;
	(pc) =	sbr.rel .LBB2_4-.Ltmp4, $1  }
0x3b: {  	_ =	sdelay $0x3  }
.LBB2_6:
0x3c: {  	_ =	sfence.sel $0x180000  }
0x3d: {  	s2 =	simm.s32 $0x2;
	[bflag:$0x0] =	sbarrier.arrive $0xFFFF  }
0x3e: {  	s30 =	simm.s32 $0x3;
	[sflag:s2] =	ssyncpa.u1 $0x1  }
0x3f: {  	s31 =	simm.s32 $0x1;
	[sflag:s30] =	ssyncpa.u1 $0x1  }
0x40: {  	[sflag:s31] =	ssyncpa.u1 $0x1  }
0x41: {  	p0 =	sne.s32 s1, $0x0;
	_ =	strace $0x9000004D  }
0x42: {  	s0 =	sadd.s32 @!p0 $0x100000, s0;
	[bflag:$0x2] =	sbarrier.arrive $0xFFFF  }
0x43: {  	[sflag:s0] =	ssyncadd.tile.s32 @!p0 $0x1;
	_ =	shalt  }
.Lfunc_end2:
_tile_overlayer_lowered:
.L_overlay_start_2:
0x44: {  	(tag) =	ssettag $0x2  }
0x45: {  	s0 =	rddreg [dreg:$0x0];
	s2 =	stileid.u32  }
0x46: {  	s1 =	rddreg [dreg:$0x1];
	p0 =	sne.s32 s2, $0x0  }
0x47: {  	s3 =	rddreg [dreg:$0x2];
	[bflag:$0x3] =	sbarrier.arrive $0xFFFF;
	s2 =	simm.s32 @!p0 $0x1C01  }
0x48: {  	[timem:s3], [sflag:s2] =	dma.local @!p0 [hbm:s0], s1  }
0x49: {  	s0 =	simm.s32 @!p0 $0x1  }
0x4a: {  	_ =	swait.ge @!p0 [sflag:s0], s1  }
0x4b: {  	s1 =	ssub.s32 @!p0 $0x0, s1;
	[sflag:s0] =	ssyncset.done @!p0 $0x0  }
0x4c: {  	[sflag:s0] =	ssyncadd.s32 @!p0 s1  }
0x4d: {  	[bflag:$0x3] =	sbarrier.arrive $0xFFFF  }
0x4e: {  	_ =	shalt  }

// kernel: gather_offload_async_start
scs
__scs_entry_jumppad:
0x0: {  	(pc) =	sbr.rel $0x88, $3  }
0x1: {  	(tag) =	ssettag $0x0;
	lr =	simm.s32 $0x1  }
0x2: {  	[smem:$0x3F9C] =	sst lr;
	_ =	strace $0xD0000000  }
0x3: {  	_ = 	snop  }
0x4: {  	_ = 	snop  }
0x5: {  	_ = 	snop  }
0x6: {  	_ = 	snop  }
0x7: {  	_ = 	snop  }
__scs_overlays_trampoline_lowered:
0x8: {  	[smem:$0x3FAB] =	sst s0  }
0x9: {  	[smem:$0x3FAC] =	sst s1  }
0xa: {  	[smem:$0x3FAD] =	sst s2  }
0xb: {  	[smem:$0x3FAE] =	sst s3  }
0xc: {  	[smem:$0x3FAF] =	sst s4  }
0xd: {  	[smem:$0x3FB0] =	sst s5  }
0xe: {  	[smem:$0x3FB1] =	sst s6  }
0xf: {  	[smem:$0x3FB2] =	sst s7  }
0x10: {  	[smem:$0x3FB3] =	sst s8  }
0x11: {  	[smem:$0x3FB4] =	sst s9;
	s0 =	simm.s32 @!p0 $0x0  }
0x12: {  	s1 =	sld [smem:$0x3F9A];
	s0 =	simm.s32 @p0 $0x1  }
0x13: {  	[smem:$0x3FB5] =	sst s0;
	s0 =	simm.s32 @!p1 $0x0  }
0x14: {  	s2 =	sld [smem:$0x3F99];
	s0 =	simm.s32 @p1 $0x1  }
0x15: {  	[smem:$0x3FB6] =	sst s0;
	s0 =	simm.s32 @!p2 $0x0  }
0x16: {  	s3 =	sld [smem:$0x3FDB];
	s0 =	simm.s32 @p2 $0x1  }
0x17: {  	s4 =	simm.s32 $0x1BF5;
	[smem:$0x3FB8] =	sst s0  }
0x18: {  	s0 =	sld [smem:$0x3F9B];
	_ =	swait.ge [sflag:s4], $0x0  }
0x19: {  	s7 =	sld [smem:$0x3F9C]  }
0x1a: {  	s8 =	sadd.s32 $0xFFFFE003, lr  }
0x1b: {  	s9 =	sadd.s32 $0xFFFFFEF7, lr;
	s5 =	simm.s32 $0xFFFFFFFF;
	p2 =	slt.u32 s8, $0xFFFFF086  }
0x1c: {  	p1 =	slt.u32 s9, $0xF7A;
	s5 =	simm.s32 @!p2 $0x0  }
0x1d: {  	s5 =	simm.s32 @p1 $0x1;
	p0 =	seq.s32 s7, s2  }
0x1e: {  	s7 =	smul.u32 @!p0 $0xF7A, s2;
	p2 =	seq.s32 @!p0 s5, $0x0  }
0x1f: {  	s9 =	smul.u32 $0xF7A, s1;
	s8 =	simm.s32 @!p0 $0x1BF5;
	p2 =	por !p2, p0  }
0x20: {  	[sflag:s8] =	ssyncset.s32 @!p0 $0xFFFFF086;
	s6 =	sadd.s32 @!p0 s3, s7;
	s7 =	simm.s32 @!p0 $0x108  }
0x21: {  	s3 =	sadd.s32 s3, s9;
	s6 =	sadd.s32 @!p0 $0x88, s6;
	s7 =	simm.s32 @p2 $0x1082  }
0x22: {  	[simem:s7], [sflag:s8] =	dma.local @!p0 [hbm:s6], $0xF7A  }
0x23: {  	s9 =	sor.u32 $0xD0000000, s2;
	s6 =	simm.s32 $0x108;
	_ =	swait.ge @!p0 [sflag:s8], $0x0  }
0x24: {  	s3 =	sadd.s32 $0x88, s3;
	s6 =	simm.s32 @!p1 $0x1082;
	[sflag:s4] =	ssyncset.s32 $0xFFFFF086  }
0x25: {  	[simem:s6], [sflag:s4] =	dma.local [hbm:s3], $0xF7A  }
0x26: {  	[smem:$0x3F9C] =	sst s1;
	(tag) =	ssettag s2;
	_ =	strace s9  }
0x27: {  	s1 =	sld [smem:$0x3FAC]  }
0x28: {  	s2 =	sld [smem:$0x3FAD]  }
0x29: {  	s4 =	sld [smem:$0x3FAF]  }
0x2a: {  	p0 =	seq.s32 s5, $0x0;
	s5 =	sld [smem:$0x3FB0]  }
0x2b: {  	s6 =	sld [smem:$0x3FB1]  }
0x2c: {  	s7 =	sld [smem:$0x3FB2]  }
0x2d: {  	s3 =	simm.s32 $0x108;
	s8 =	sld [smem:$0x3FB3]  }
0x2e: {  	s3 =	simm.s32 @!p0 $0x1082;
	s9 =	sld [smem:$0x3FB4]  }
0x2f: {  	lr =	sadd.s32 s0, s3;
	s0 =	sld [smem:$0x3FAB]  }
0x30: {  	s3 =	sld [smem:$0x3FAE]  }
0x31: {  	[smem:$0x3FB7] =	sst s10  }
0x32: {  	s10 =	sld [smem:$0x3FB5];
	_ =	sdelay $0x3  }
0x33: {  	p0 =	seq.s32 s10, $0x1;
	s10 =	sld [smem:$0x3FB7];
	_ =	sdelay $0x3  }
0x34: {  	[smem:$0x3FB7] =	sst s10  }
0x35: {  	s10 =	sld [smem:$0x3FB6];
	_ =	sdelay $0x3  }
0x36: {  	p1 =	seq.s32 s10, $0x1;
	s10 =	sld [smem:$0x3FB7];
	_ =	sdelay $0x3  }
0x37: {  	[smem:$0x3FB7] =	sst s10  }
0x38: {  	s10 =	sld [smem:$0x3FB8]  }
0x39: {  	_ = 	snop;
	(pc) =	sbr.ind lr, $3  }
0x3a: {  	_ = 	snop  }
0x3b: {  	_ = 	snop  }
0x3c: {  	p2 =	seq.s32 s10, $0x1;
	s10 =	sld [smem:$0x3FB7]  }
0x3d: {  	_ =	shalt  }
0x3e: {  	_ =	shalt  }
0x3f: {  	_ =	shalt  }
0x40: {  	_ =	shalt  }
0x41: {  	_ =	shalt  }
0x42: {  	_ =	shalt  }
0x43: {  	_ =	shalt  }
0x44: {  	_ =	shalt  }
0x45: {  	_ =	shalt  }
0x46: {  	_ =	shalt  }
0x47: {  	_ =	shalt  }
0x48: {  	_ =	shalt  }
0x49: {  	_ =	shalt  }
0x4a: {  	_ =	shalt  }
0x4b: {  	_ =	shalt  }
0x4c: {  	_ =	shalt  }
0x4d: {  	_ =	shalt  }
0x4e: {  	_ =	shalt  }
0x4f: {  	_ =	shalt  }
0x50: {  	_ =	shalt  }
0x51: {  	_ =	shalt  }
0x52: {  	_ =	shalt  }
0x53: {  	_ =	shalt  }
0x54: {  	_ =	shalt  }
0x55: {  	_ =	shalt  }
0x56: {  	_ =	shalt  }
0x57: {  	_ =	shalt  }
0x58: {  	_ =	shalt  }
0x59: {  	_ =	shalt  }
0x5a: {  	_ =	shalt  }
0x5b: {  	_ =	shalt  }
0x5c: {  	_ =	shalt  }
0x5d: {  	_ =	shalt  }
0x5e: {  	_ =	shalt  }
0x5f: {  	_ =	shalt  }
0x60: {  	_ =	shalt  }
0x61: {  	_ =	shalt  }
0x62: {  	_ =	shalt  }
0x63: {  	_ =	shalt  }
0x64: {  	_ =	shalt  }
0x65: {  	_ =	shalt  }
0x66: {  	_ =	shalt  }
0x67: {  	_ =	shalt  }
0x68: {  	_ =	shalt  }
0x69: {  	_ =	shalt  }
0x6a: {  	_ =	shalt  }
0x6b: {  	_ =	shalt  }
0x6c: {  	_ =	shalt  }
0x6d: {  	_ =	shalt  }
0x6e: {  	_ =	shalt  }
0x6f: {  	_ =	shalt  }
0x70: {  	_ =	shalt  }
0x71: {  	_ =	shalt  }
0x72: {  	_ =	shalt  }
0x73: {  	_ =	shalt  }
0x74: {  	_ =	shalt  }
0x75: {  	_ =	shalt  }
0x76: {  	_ =	shalt  }
0x77: {  	_ =	shalt  }
0x78: {  	_ =	shalt  }
0x79: {  	_ =	shalt  }
0x7a: {  	_ =	shalt  }
0x7b: {  	_ =	shalt  }
0x7c: {  	_ =	shalt  }
0x7d: {  	_ =	shalt  }
0x7e: {  	_ =	shalt  }
0x7f: {  	_ =	shalt  }
0x80: {  	_ =	shalt  }
0x81: {  	_ =	shalt  }
0x82: {  	_ =	shalt  }
0x83: {  	_ =	shalt  }
0x84: {  	_ =	shalt  }
0x85: {  	_ =	shalt  }
0x86: {  	_ =	shalt  }
0x87: {  	_ =	shalt  }
.Lfunc_end0:
.L_simem_size_0:
called_computation.1_lowered:
.L_overlay_start_0:
0x88: {  	s2 =	sld [smem:$0x3FD9]  }
0x89: {  	s3 =	sld [smem:$0x3FFE];
	_ =	sdelay $0x1  }
0x8a: {  	s1 =	srdreg.scid  }
0x8b: {  	s0 =	sand.u32 $0x1, s1  }
0x8c: {  	s17 =	sshll.u32 s0, $0xA;
	s2 =	sadd.s32 s3, s2  }
0x8d: {  	s2 =	sadd.s32 s2, s17  }
0x8e: {  	[smem:$0x3FC3] =	sst s2  }
0x8f: {  	_ = 	snop  }
0x90: {  	s2 =	sld [smem:$0x3FD0];
	(tm) =	ssettm $0x1  }
0x91: {  	s18 =	sld [smem:$0x3FFB];
	_ =	sdelay $0x3  }
0x92: {  	_ =	strace s18  }
0x93: {  	s3 =	sld [smem:$0x3FFC];
	_ =	sdelay $0x3  }
0x94: {  	_ =	strace s3  }
0x95: {  	s3 =	sld [smem:$0x3FFD];
	_ =	sdelay $0x3  }
0x96: {  	_ =	strace s3  }
0x97: {  	_ =	strace $0x8FFFFFFF  }
0x98: {  	s19 =	sld [smem:$0x3FDB];
	_ =	sdelay $0x1  }
0x99: {  	s4 =	simm.s32 $_scs_section_size  }
0x9a: {  	s5 =	simm.s32 $_size__tile_overlayer_lowered;
	s6 =	simm.s32 $_tile_overlayer_lowered  }
0x9b: {  	s22 =	simm.s32 $0x1BFF;
	s21 =	sshll.u32 s6, $0x1;
	s3 =	sadd.s32 s4, s19  }
0x9c: {  	s7 =	simm.s32 $0x0;
	s20 =	sshll.u32 s5, $0x1;
	s5 =	sadd.s32 s21, s3  }
0x9d: {  	[timem:s7], [sflag:s22] =	dma.local [hbm:s5], s20  }
0x9e: {  	_ =	swait.ge [sflag:s22], s20  }
0x9f: {  	s4 =	ssub.s32 $0x0, s20;
	[sflag:s22] =	ssyncset.done $0x0  }
0xa0: {  	[sflag:s22] =	ssyncadd.s32 s4;
	_ =	sdelay $0x1  }
0xa1: {  	s23 =	simm.s32 $0x1B8B  }
0xa2: {  	_ =	swait.ge [sflag:s23], $0x1  }
0xa3: {  	[sflag:s23] =	ssyncset.done $0x0  }
0xa4: {  	s25 =	simm.s32 $0x1B8E;
	s24 =	sld [smem:$0x3FFE];
	[sflag:s23] =	ssyncadd.s32 $0xFFFFFFFF  }
0xa5: {  	s26 =	simm.s32 $execute0_lowered;
	[smem:$0x3FD2] =	sst s25  }
0xa6: {  	s5 =	sshll.u32 s26, $0x1;
	_ =	strace $0x80000049;
	[dreg:$0x1] =	wrdreg $0xFFFFFFFF  }
0xa7: {  	s28 =	simm.s32 $_size_execute0_lowered;
	s3 =	sadd.s32 s3, s5;
	[dreg:$0x0] =	wrdreg $0x0  }
0xa8: {  	s5 =	sshll.u32 s28, $0x1;
	[dreg:$0x2] =	wrdreg s3  }
0xa9: {  	[dreg:$0x3] =	wrdreg s5  }
0xaa: {  	[dreg:$0x4] =	wrdreg $0xC0  }
0xab: {  	_ =	task [dreg:s7], $0x5FFFF  }
0xac: {  	[dreg:$0x1] =	wrdreg $0xFFFFFFFF  }
0xad: {  	[dreg:$0x0] =	wrdreg $0x60  }
0xae: {  	[dreg:$0x2] =	wrdreg s24  }
0xaf: {  	[dreg:$0x3] =	wrdreg s2  }
0xb0: {  	[dreg:$0x4] =	wrdreg $0x9  }
0xb1: {  	_ =	task.clear_ibuf [dreg:s7], $0x5FFFF;
	_ =	strace $0x90000049  }
0xb2: {  	s29 =	simm.s32 $0x9;
	_ =	strace $0x8000004B  }
0xb3: {  	_ =	swait.ge [sflag:s29], $0x1  }
0xb4: {  	[sflag:s29] =	ssyncadd.s32 $0xFFFFFFFF  }
0xb5: {  	_ =	strace $0x9000004B  }
0xb6: {  	_ =	sfence  }
0xb7: {  	s30 =	sld [smem:$0x0];
	_ =	sdelay $0x2  }
0xb8: {  	s31 =	sshll.u32 s1, $0xD;
	s1 =	sshrl.u32 s1, $0x2  }
0xb9: {  	s3 =	sand.u32 $0x4000, s31;
	s1 =	sadd.s32 s1, s30  }
0xba: {  	s0 =	sor.u32 s3, s0;
	s1 =	sshll.u32 s1, $0x11  }
0xbb: {  	s0 =	sor.u32 s1, s0  }
0xbc: {  	s0 =	sadd.s32 $0x8F2B, s0  }
0xbd: {  	[sflag:s0] =	ssyncadd.remote.s32 $0x1  }
0xbe: {  	_ =	sfence.sel $0xFFFF  }
0xbf: {  	[dreg:$0x0] =	wrdreg $0xFFFFFFFF;
	(pc) =	sbr.abs _section_cstart, $3  }
0xc0: {  	[dreg:$0x1] =	wrdreg $0xFFFFFFFF  }
0xc1: {  	_ =	task.clear_ibuf [dreg:s7], $0x2FFFF;
	_ =	strace $0x9FFFFFFF  }
0xc2: {  	(tm) =	ssettm $0x7FFFFFFF  }
0xc3: {  	_ =	shalt  }
tec
execute0_lowered:
.L_overlay_start_1:
0x0: {  	(tag) =	ssettag $0x1  }
0x1: {  	s1 =	srdreg.scid;
	s2 =	rddreg [dreg:$0x0]  }
0x2: {  	s0 =	stileid.u32;
	s3 =	rddreg [dreg:$0x1]  }
0x3: {  	s6 =	simm.s32 $0x1;
	s9 =	simm.s32 $0x1;
	s1 =	sshll.u32 s1, $0x8  }
0x4: {  	s10 =	simm.s32 $0x3;
	s4 =	sshll.u32 s0, $0x9;
	s5 =	sand.u32 $0x100, s1  }
0x5: {  	s13 =	simm.s32 $0x0;
	s12 =	simm.s32 $0x0;
	s4 =	sor.u32 s4, s5  }
0x6: {  	s1 =	rddreg [dreg:$0x2];
	_ =	strace $0x8000004A;
	s8 =	ssub.s32 $0x4000, s4  }
.Ltmp0:
0x7: {  	s5 =	sadd.s32 $0x1800, s2;
	s7 =	sand.u32 $0x1F00, s8;
	(pc) =	sbr.rel .LBB2_1-.Ltmp0, $4  }
0x8: {  	[sflag:s6] =	ssyncpa.u1 $0x0;
	s11 =	smov.u32 s4;
	p0 =	sne.s32 s7, $0x0  }
0x9: {  	s8 =	sshrl.u32 s8, $0xD;
	s7 =	simm.s32 $0x2;
	s9 =	simm.s32 @!p0 $0x0  }
0xa: {  	[sflag:s7] =	ssyncpa.u1 $0x0;
	p0 =	por $0x0, $0x0;
	s8 =	sadd.s32 s9, s8  }
0xb: {  	vm0 =	vmmov $0xffff;
	[sflag:s10] =	ssyncpa.u1 $0x0;
	s10 =	simm.s32 $0x0;
	s9 =	sadd.s32 $0x1, s8  }
.LBB2_4:
0xc: {  	v2 =	vnsel vm1, $0x0, v2  }
0xd: {  	vm1 =	vgt.s32 v0, $0x0;
	v2 =	vmin.u32 v2, $0x3FFF  }
0xe: {  	v0 =	vnsel vm1, $0x0, v0  }
0xf: {  	v0 =	vmin.u32 v0, $0x3FFF  }
0x10: {  	[tilespmem:s15], [sflag:$0x1] =	stream.indirect_vreg.gather [hbm4b:s2+s10], $0x1, v1, vm0, $0x4038;
	[tilespmem:$0x400] =	vst v63  }
0x11: {  	(ifvalue) =	ssetifvalue $0x7FFFFFFF  }
0x12: {  	[tilespmem:s16], [sflag:$0x1] =	stream.indirect_vreg.gather [hbm4b:s2+s10], $0x1, v2, vm0, $0x4038;
	[tilespmem:$0x400] =	vst v63  }
0x13: {  	s29 =	sadd.s32 $0x10, s16;
	(ifvalue) =	ssetifvalue $0x7FFFFFFF  }
0x14: {  	[tilespmem:s29], [sflag:$0x1] =	stream.indirect_vreg.gather [hbm4b:s2+s10], $0x1, v0, vm0, $0x4038;
	[tilespmem:$0x400] =	vst v63  }
0x15: {  	_ =	swait.ge [sflag:s6], $0x100  }
0x16: {  	s30 =	sshrl.u32 s13, $0x3;
	[sflag:s6] =	ssyncset.done $0x0  }
0x17: {  	s31 =	sand.u32 $0x7, s13;
	s15 =	sadd.s32 s3, s30;
	[sflag:s6] =	ssyncadd.s32 $0xFFFFFF00  }
0x18: {  	[hbm4b:s15+s31] =	stream.linear.scatter [tilespmem:s14], [sflag:$0x3], $0x100, $0x38;
	[tilespmem:$0x400] =	vst v63  }
.LBB2_5:
0x19: {  	s15 =	sadd.s32 $0x2000, s11  }
0x1a: {  	p2 =	sgt.s32 s15, $0x3FFF  }
0x1b: {  	s15 =	smov.u32 @p2 s4;
	p2 =	sne.s32 s12, s9  }
.Ltmp1:
0x1c: {  	p1 =	slt.u32 s12, $0x2;
	(pc) =	sbr.rel @!p2 .LBB2_6-.Ltmp1, $4  }
0x1d: {  	s14 =	simm.s32 @!p1 $0x3  }
0x1e: {  	s16 =	sadd.s32 $0x1, s12;
	_ =	swait.ge @!p1 [sflag:s14], $0x100  }
0x1f: {  	s13 =	smov.u32 s11;
	p0 =	por !p0, !p0;
	[sflag:s14] =	ssyncset.done @!p1 $0x0  }
0x20: {  	s12 =	smov.u32 s16;
	s11 =	smov.u32 s15;
	[sflag:s14] =	ssyncadd.s32 @!p1 $0xFFFFFF00  }
.LBB2_1:
0x21: {  	p1 =	sge.u32 s12, s8  }
0x22: {  	s14 =	sxor.u32 @!p1 $0xFFFFFFFF, s12  }
0x23: {  	s31 =	sadd.s32 $0xFFFFFFFF, s12;
	s15 =	sshrl.u32 @!p1 s11, $0x3;
	s14 =	sshll.u32 @!p1 s14, $0x8  }
0x24: {  	s16 =	sand.u32 @!p1 $0x7, s11;
	s15 =	sadd.s32 @!p1 s5, s15;
	s14 =	sand.u32 @!p1 $0x100, s14  }
0x25: {  	[tilespmem:s14], [sflag:$0x2] =	stream.linear.gather @!p1 [hbm4b:s15+s16], $0x100, $0x38;
	[tilespmem:$0x400] =	vst v63  }
0x26: {  	p1 =	sge.u32 s31, s8  }
.Ltmp2:
0x27: {  	_ = 	snop;
	(pc) =	sbr.rel @p1 .LBB2_5-.Ltmp2, $1  }
0x28: {  	_ =	sdelay $0x3  }
0x29: {  	s14 =	simm.s32 $0x1  }
0x2a: {  	_ =	swait.ge [sflag:s7], $0x100;
	s14 =	simm.s32 @!p0 $0x0  }
0x2b: {  	[sflag:s7] =	ssyncset.done $0x0;
	s14 =	sshll.u32 s14, $0x8  }
0x2c: {  	[sflag:s7] =	ssyncadd.s32 $0xFFFFFF00;
	(ifvalue) =	ssetifvalue $0x7FFFFFFF;
	v0 =	vld.msk [tilespmem:s14+$0x0 ss:$0x1], $0xffff;
	_ =	sdelay $0x4  }
0x2d: {  	s15 =	sadd.s32 $0x10, s14;
	vm1 =	vgt.s32 v0, $0x0  }
0x2e: {  	v2 =	vld.msk [tilespmem:s15+$0x0 ss:$0x1], $0xffff;
	v1 =	vnsel vm1, $0x0, v0  }
0x2f: {  	v1 =	vmin.u32 v1, $0x3FFF;
	_ =	sdelay $0x1  }
0x30: {  	s16 =	sshll.u32 s12, $0x8;
	s18 =	simm.s32 $0x20  }
0x31: {  	s16 =	sand.u32 $0x100, s16;
	s17 =	sadd.s32 $0x10, s15;
	s15 =	sor.u32 $0x200, s14  }
0x32: {  	s14 =	sor.u32 $0x200, s16;
	s16 =	sadd.s32 $0x10, s15;
	v0 =	vld.msk [tilespmem:s17+$0x0 ss:$0x1], $0xffff;
	vm1 =	vgt.s32 v2, $0x0;
	(ifvalue) =	ssetifvalue $0x7FFFFFFF  }
.LBB2_3:
0x33: {  	[tilespmem:s15], [sflag:$0x1] =	stream.indirect_vreg.gather [hbm4b:s2+s10], $0x1, v1, vm0, $0x4038;
	[tilespmem:$0x400] =	vst v63  }
0x34: {  	s18 =	sadd.s32 $0x10, s18  }
0x35: {  	v2 =	vnsel vm1, $0x0, v2;
	p1 =	slt.u32 s18, $0xF0  }
.Ltmp3:
0x36: {  	s15 =	smov.u32 s16;
	v1 =	vmin.u32 v2, $0x3FFF;
	(pc) =	sbr.rel @p1 .LBB2_3-.Ltmp3, $3  }
0x37: {  	_ =	sdelay $0x1  }
0x38: {  	s17 =	sadd.s32 $0x10, s17  }
0x39: {  	vm1 =	vgt.s32 v0, $0x0;
	s16 =	sadd.s32 $0x10, s16;
	v2 =	vmov v0;
	(ifvalue) =	ssetifvalue $0x7FFFFFFF;
	v0 =	vld.msk [tilespmem:s17+$0x0 ss:$0x1], $0xffff  }
.Ltmp4:
0x3a: {  	_ = 	snop;
	(pc) =	sbr.rel .LBB2_4-.Ltmp4, $1  }
0x3b: {  	_ =	sdelay $0x3  }
.LBB2_6:
0x3c: {  	_ =	sfence.sel $0x180000  }
0x3d: {  	s2 =	simm.s32 $0x2;
	[bflag:$0x0] =	sbarrier.arrive $0xFFFF  }
0x3e: {  	s30 =	simm.s32 $0x3;
	[sflag:s2] =	ssyncpa.u1 $0x1  }
0x3f: {  	s31 =	simm.s32 $0x1;
	[sflag:s30] =	ssyncpa.u1 $0x1  }
0x40: {  	[sflag:s31] =	ssyncpa.u1 $0x1  }
0x41: {  	p0 =	sne.s32 s0, $0x0;
	_ =	strace $0x9000004A  }
0x42: {  	s0 =	sadd.s32 @!p0 $0x100000, s1;
	[bflag:$0x2] =	sbarrier.arrive $0xFFFF  }
0x43: {  	[sflag:s0] =	ssyncadd.tile.s32 @!p0 $0x1;
	_ =	shalt  }
.Lfunc_end2:
_tile_overlayer_lowered:
.L_overlay_start_2:
0x44: {  	(tag) =	ssettag $0x2  }
0x45: {  	s0 =	rddreg [dreg:$0x0];
	s2 =	stileid.u32  }
0x46: {  	s1 =	rddreg [dreg:$0x1];
	p0 =	sne.s32 s2, $0x0  }
0x47: {  	s3 =	rddreg [dreg:$0x2];
	[bflag:$0x3] =	sbarrier.arrive $0xFFFF;
	s2 =	simm.s32 @!p0 $0x1C01  }
0x48: {  	[timem:s3], [sflag:s2] =	dma.local @!p0 [hbm:s0], s1  }
0x49: {  	s0 =	simm.s32 @!p0 $0x1  }
0x4a: {  	_ =	swait.ge @!p0 [sflag:s0], s1  }
0x4b: {  	s1 =	ssub.s32 @!p0 $0x0, s1;
	[sflag:s0] =	ssyncset.done @!p0 $0x0  }
0x4c: {  	[sflag:s0] =	ssyncadd.s32 @!p0 s1  }
0x4d: {  	[bflag:$0x3] =	sbarrier.arrive $0xFFFF  }
0x4e: {  	_ =	shalt  }

// kernel: kernel.4.cloned.1.call-start
scs
__scs_entry_jumppad:
0x0: {  	(pc) =	sbr.rel $0x88, $3  }
0x1: {  	(tag) =	ssettag $0x0;
	lr =	simm.s32 $0x1  }
0x2: {  	[smem:$0x3F9C] =	sst lr;
	_ =	strace $0xD0000000  }
0x3: {  	_ = 	snop  }
0x4: {  	_ = 	snop  }
0x5: {  	_ = 	snop  }
0x6: {  	_ = 	snop  }
0x7: {  	_ = 	snop  }
__scs_overlays_trampoline_lowered:
0x8: {  	[smem:$0x3FAB] =	sst s0  }
0x9: {  	[smem:$0x3FAC] =	sst s1  }
0xa: {  	[smem:$0x3FAD] =	sst s2  }
0xb: {  	[smem:$0x3FAE] =	sst s3  }
0xc: {  	[smem:$0x3FAF] =	sst s4  }
0xd: {  	[smem:$0x3FB0] =	sst s5  }
0xe: {  	[smem:$0x3FB1] =	sst s6  }
0xf: {  	[smem:$0x3FB2] =	sst s7  }
0x10: {  	[smem:$0x3FB3] =	sst s8  }
0x11: {  	[smem:$0x3FB4] =	sst s9;
	s0 =	simm.s32 @!p0 $0x0  }
0x12: {  	s1 =	sld [smem:$0x3F9A];
	s0 =	simm.s32 @p0 $0x1  }
0x13: {  	[smem:$0x3FB5] =	sst s0;
	s0 =	simm.s32 @!p1 $0x0  }
0x14: {  	s2 =	sld [smem:$0x3F99];
	s0 =	simm.s32 @p1 $0x1  }
0x15: {  	[smem:$0x3FB6] =	sst s0;
	s0 =	simm.s32 @!p2 $0x0  }
0x16: {  	s3 =	sld [smem:$0x3FDB];
	s0 =	simm.s32 @p2 $0x1  }
0x17: {  	s4 =	simm.s32 $0x1BF5;
	[smem:$0x3FB8] =	sst s0  }
0x18: {  	s0 =	sld [smem:$0x3F9B];
	_ =	swait.ge [sflag:s4], $0x0  }
0x19: {  	s7 =	sld [smem:$0x3F9C]  }
0x1a: {  	s8 =	sadd.s32 $0xFFFFE003, lr  }
0x1b: {  	s9 =	sadd.s32 $0xFFFFFEF7, lr;
	s5 =	simm.s32 $0xFFFFFFFF;
	p2 =	slt.u32 s8, $0xFFFFF086  }
0x1c: {  	p1 =	slt.u32 s9, $0xF7A;
	s5 =	simm.s32 @!p2 $0x0  }
0x1d: {  	s5 =	simm.s32 @p1 $0x1;
	p0 =	seq.s32 s7, s2  }
0x1e: {  	s7 =	smul.u32 @!p0 $0xF7A, s2;
	p2 =	seq.s32 @!p0 s5, $0x0  }
0x1f: {  	s9 =	smul.u32 $0xF7A, s1;
	s8 =	simm.s32 @!p0 $0x1BF5;
	p2 =	por !p2, p0  }
0x20: {  	[sflag:s8] =	ssyncset.s32 @!p0 $0xFFFFF086;
	s6 =	sadd.s32 @!p0 s3, s7;
	s7 =	simm.s32 @!p0 $0x108  }
0x21: {  	s3 =	sadd.s32 s3, s9;
	s6 =	sadd.s32 @!p0 $0x88, s6;
	s7 =	simm.s32 @p2 $0x1082  }
0x22: {  	[simem:s7], [sflag:s8] =	dma.local @!p0 [hbm:s6], $0xF7A  }
0x23: {  	s9 =	sor.u32 $0xD0000000, s2;
	s6 =	simm.s32 $0x108;
	_ =	swait.ge @!p0 [sflag:s8], $0x0  }
0x24: {  	s3 =	sadd.s32 $0x88, s3;
	s6 =	simm.s32 @!p1 $0x1082;
	[sflag:s4] =	ssyncset.s32 $0xFFFFF086  }
0x25: {  	[simem:s6], [sflag:s4] =	dma.local [hbm:s3], $0xF7A  }
0x26: {  	[smem:$0x3F9C] =	sst s1;
	(tag) =	ssettag s2;
	_ =	strace s9  }
0x27: {  	s1 =	sld [smem:$0x3FAC]  }
0x28: {  	s2 =	sld [smem:$0x3FAD]  }
0x29: {  	s4 =	sld [smem:$0x3FAF]  }
0x2a: {  	p0 =	seq.s32 s5, $0x0;
	s5 =	sld [smem:$0x3FB0]  }
0x2b: {  	s6 =	sld [smem:$0x3FB1]  }
0x2c: {  	s7 =	sld [smem:$0x3FB2]  }
0x2d: {  	s3 =	simm.s32 $0x108;
	s8 =	sld [smem:$0x3FB3]  }
0x2e: {  	s3 =	simm.s32 @!p0 $0x1082;
	s9 =	sld [smem:$0x3FB4]  }
0x2f: {  	lr =	sadd.s32 s0, s3;
	s0 =	sld [smem:$0x3FAB]  }
0x30: {  	s3 =	sld [smem:$0x3FAE]  }
0x31: {  	[smem:$0x3FB7] =	sst s10  }
0x32: {  	s10 =	sld [smem:$0x3FB5];
	_ =	sdelay $0x3  }
0x33: {  	p0 =	seq.s32 s10, $0x1;
	s10 =	sld [smem:$0x3FB7];
	_ =	sdelay $0x3  }
0x34: {  	[smem:$0x3FB7] =	sst s10  }
0x35: {  	s10 =	sld [smem:$0x3FB6];
	_ =	sdelay $0x3  }
0x36: {  	p1 =	seq.s32 s10, $0x1;
	s10 =	sld [smem:$0x3FB7];
	_ =	sdelay $0x3  }
0x37: {  	[smem:$0x3FB7] =	sst s10  }
0x38: {  	s10 =	sld [smem:$0x3FB8]  }
0x39: {  	_ = 	snop;
	(pc) =	sbr.ind lr, $3  }
0x3a: {  	_ = 	snop  }
0x3b: {  	_ = 	snop  }
0x3c: {  	p2 =	seq.s32 s10, $0x1;
	s10 =	sld [smem:$0x3FB7]  }
0x3d: {  	_ =	shalt  }
0x3e: {  	_ =	shalt  }
0x3f: {  	_ =	shalt  }
0x40: {  	_ =	shalt  }
0x41: {  	_ =	shalt  }
0x42: {  	_ =	shalt  }
0x43: {  	_ =	shalt  }
0x44: {  	_ =	shalt  }
0x45: {  	_ =	shalt  }
0x46: {  	_ =	shalt  }
0x47: {  	_ =	shalt  }
0x48: {  	_ =	shalt  }
0x49: {  	_ =	shalt  }
0x4a: {  	_ =	shalt  }
0x4b: {  	_ =	shalt  }
0x4c: {  	_ =	shalt  }
0x4d: {  	_ =	shalt  }
0x4e: {  	_ =	shalt  }
0x4f: {  	_ =	shalt  }
0x50: {  	_ =	shalt  }
0x51: {  	_ =	shalt  }
0x52: {  	_ =	shalt  }
0x53: {  	_ =	shalt  }
0x54: {  	_ =	shalt  }
0x55: {  	_ =	shalt  }
0x56: {  	_ =	shalt  }
0x57: {  	_ =	shalt  }
0x58: {  	_ =	shalt  }
0x59: {  	_ =	shalt  }
0x5a: {  	_ =	shalt  }
0x5b: {  	_ =	shalt  }
0x5c: {  	_ =	shalt  }
0x5d: {  	_ =	shalt  }
0x5e: {  	_ =	shalt  }
0x5f: {  	_ =	shalt  }
0x60: {  	_ =	shalt  }
0x61: {  	_ =	shalt  }
0x62: {  	_ =	shalt  }
0x63: {  	_ =	shalt  }
0x64: {  	_ =	shalt  }
0x65: {  	_ =	shalt  }
0x66: {  	_ =	shalt  }
0x67: {  	_ =	shalt  }
0x68: {  	_ =	shalt  }
0x69: {  	_ =	shalt  }
0x6a: {  	_ =	shalt  }
0x6b: {  	_ =	shalt  }
0x6c: {  	_ =	shalt  }
0x6d: {  	_ =	shalt  }
0x6e: {  	_ =	shalt  }
0x6f: {  	_ =	shalt  }
0x70: {  	_ =	shalt  }
0x71: {  	_ =	shalt  }
0x72: {  	_ =	shalt  }
0x73: {  	_ =	shalt  }
0x74: {  	_ =	shalt  }
0x75: {  	_ =	shalt  }
0x76: {  	_ =	shalt  }
0x77: {  	_ =	shalt  }
0x78: {  	_ =	shalt  }
0x79: {  	_ =	shalt  }
0x7a: {  	_ =	shalt  }
0x7b: {  	_ =	shalt  }
0x7c: {  	_ =	shalt  }
0x7d: {  	_ =	shalt  }
0x7e: {  	_ =	shalt  }
0x7f: {  	_ =	shalt  }
0x80: {  	_ =	shalt  }
0x81: {  	_ =	shalt  }
0x82: {  	_ =	shalt  }
0x83: {  	_ =	shalt  }
0x84: {  	_ =	shalt  }
0x85: {  	_ =	shalt  }
0x86: {  	_ =	shalt  }
0x87: {  	_ =	shalt  }
.Lfunc_end0:
.L_simem_size_0:
called_computation.3_lowered:
.L_overlay_start_0:
0x88: {  	s2 =	sld [smem:$0x3FD9]  }
0x89: {  	s3 =	sld [smem:$0x3FFE];
	_ =	sdelay $0x1  }
0x8a: {  	s1 =	srdreg.scid  }
0x8b: {  	s0 =	sand.u32 $0x1, s1  }
0x8c: {  	s17 =	sshll.u32 s0, $0xA;
	s2 =	sadd.s32 s3, s2  }
0x8d: {  	s2 =	sadd.s32 s2, s17  }
0x8e: {  	[smem:$0x3FC3] =	sst s2  }
0x8f: {  	_ = 	snop  }
0x90: {  	s18 =	sld [smem:$0x3FC9];
	(tm) =	ssettm $0x1  }
0x91: {  	s19 =	sld [smem:$0x3FFB];
	_ =	sdelay $0x3  }
0x92: {  	_ =	strace s19  }
0x93: {  	s2 =	sld [smem:$0x3FFC];
	_ =	sdelay $0x3  }
0x94: {  	_ =	strace s2  }
0x95: {  	s2 =	sld [smem:$0x3FFD];
	_ =	sdelay $0x3  }
0x96: {  	_ =	strace s2  }
0x97: {  	_ =	strace $0x8FFFFFFF  }
0x98: {  	s20 =	sld [smem:$0x3FDB];
	_ =	sdelay $0x1  }
0x99: {  	s4 =	simm.s32 $_scs_section_size  }
0x9a: {  	s5 =	simm.s32 $_size__tile_overlayer_lowered;
	s6 =	simm.s32 $_tile_overlayer_lowered  }
0x9b: {  	s7 =	simm.s32 $0x1BFF;
	s21 =	sshll.u32 s6, $0x1;
	s4 =	sadd.s32 s4, s20  }
0x9c: {  	s22 =	simm.s32 $0x0;
	s5 =	sshll.u32 s5, $0x1;
	s6 =	sadd.s32 s21, s4  }
0x9d: {  	[timem:s22], [sflag:s7] =	dma.local [hbm:s6], s5  }
0x9e: {  	_ =	swait.ge [sflag:s7], s5  }
0x9f: {  	s5 =	ssub.s32 $0x0, s5;
	[sflag:s7] =	ssyncset.done $0x0  }
0xa0: {  	[sflag:s7] =	ssyncadd.s32 s5;
	_ =	sdelay $0x1  }
0xa1: {  	s23 =	simm.s32 $0x1B8B  }
0xa2: {  	_ =	swait.ge [sflag:s23], $0x1  }
0xa3: {  	[sflag:s23] =	ssyncset.done $0x0  }
0xa4: {  	[sflag:s23] =	ssyncadd.s32 $0xFFFFFFFF  }
0xa5: {  	s5 =	sld [smem:$0x0]  }
0xa6: {  	s6 =	sand.u32 $0xFFFFFFFE, s1  }
0xa7: {  	p0 =	sne.s32 s1, s6  }
0xa8: {  	s6 =	sshll.u32 @p0 s6, $0xE  }
0xa9: {  	s6 =	sadd.s32 @p0 $0x11B8D, s6;
	s7 =	sshll.u32 @p0 s5, $0x11  }
0xaa: {  	s6 =	sor.u32 @p0 s7, s6  }
0xab: {  	[sflag:s6] =	ssyncadd.remote.s32 @p0 $0x1;
	_ =	sdelay $0x1  }
0xac: {  	s6 =	simm.s32 @p0 $0x1B8D  }
0xad: {  	_ =	swait.eq @p0 [sflag:s6], $0x1  }
0xae: {  	[sflag:s6] =	ssyncadd.s32 @p0 $0xFFFFFFFF  }
0xaf: {  	s7 =	sshll.u32 @!p0 s1, $0xE  }
0xb0: {  	s7 =	sor.u32 @!p0 $0x4000, s7;
	s6 =	simm.s32 @!p0 $0x1B8D  }
0xb1: {  	s5 =	sshll.u32 @!p0 s5, $0x11;
	s7 =	sadd.s32 @!p0 $0x11B8D, s7;
	_ =	swait.eq @!p0 [sflag:s6], $0x1  }
0xb2: {  	s5 =	sor.u32 @!p0 s5, s7;
	[sflag:s6] =	ssyncadd.s32 @!p0 $0xFFFFFFFF  }
0xb3: {  	s25 =	simm.s32 $0x1B8E;
	s24 =	sld [smem:$0x3FFE];
	[sflag:s5] =	ssyncadd.remote.s32 @!p0 $0x1  }
0xb4: {  	s26 =	simm.s32 $execute0_lowered;
	[smem:$0x3FD2] =	sst s25  }
0xb5: {  	s6 =	sshll.u32 s26, $0x1;
	_ =	strace $0x8000004F;
	[dreg:$0x1] =	wrdreg $0xFFFFFFFF  }
0xb6: {  	s28 =	simm.s32 $_size_execute0_lowered;
	s4 =	sadd.s32 s4, s6;
	[dreg:$0x0] =	wrdreg $0x0  }
0xb7: {  	s6 =	sshll.u32 s28, $0x1;
	[dreg:$0x2] =	wrdreg s4  }
0xb8: {  	[dreg:$0x3] =	wrdreg s6  }
0xb9: {  	[dreg:$0x4] =	wrdreg $0xC0  }
0xba: {  	_ =	task [dreg:s22], $0x5FFFF  }
0xbb: {  	[dreg:$0x1] =	wrdreg $0xFFFFFFFF  }
0xbc: {  	[dreg:$0x0] =	wrdreg $0x60  }
0xbd: {  	[dreg:$0x2] =	wrdreg s18  }
0xbe: {  	[dreg:$0x3] =	wrdreg s24  }
0xbf: {  	[dreg:$0x4] =	wrdreg $0xA  }
0xc0: {  	_ =	task.clear_ibuf [dreg:s22], $0x5FFFF;
	_ =	strace $0x9000004F  }
0xc1: {  	s29 =	simm.s32 $0xA;
	_ =	strace $0x80000051  }
0xc2: {  	_ =	swait.ge [sflag:s29], $0x1  }
0xc3: {  	[sflag:s29] =	ssyncadd.s32 $0xFFFFFFFF  }
0xc4: {  	_ =	strace $0x90000051  }
0xc5: {  	_ =	sfence  }
0xc6: {  	s30 =	sld [smem:$0x0];
	_ =	sdelay $0x2  }
0xc7: {  	s31 =	sshll.u32 s1, $0xD;
	s1 =	sshrl.u32 s1, $0x2  }
0xc8: {  	s4 =	sand.u32 $0x4000, s31;
	s1 =	sadd.s32 s1, s30  }
0xc9: {  	s0 =	sor.u32 s4, s0;
	s1 =	sshll.u32 s1, $0x11  }
0xca: {  	s0 =	sor.u32 s1, s0  }
0xcb: {  	s0 =	sadd.s32 $0x8F2B, s0  }
0xcc: {  	[sflag:s0] =	ssyncadd.remote.s32 $0x1  }
0xcd: {  	_ =	sfence.sel $0xFFFF  }
0xce: {  	[dreg:$0x0] =	wrdreg $0xFFFFFFFF;
	(pc) =	sbr.abs _section_cstart, $3  }
0xcf: {  	[dreg:$0x1] =	wrdreg $0xFFFFFFFF  }
0xd0: {  	_ =	task.clear_ibuf [dreg:s22], $0x2FFFF;
	_ =	strace $0x9FFFFFFF  }
0xd1: {  	(tm) =	ssettm $0x7FFFFFFF  }
tec
execute0_lowered:
.L_overlay_start_1:
0x0: {  	(tag) =	ssettag $0x1  }
0x1: {  	s2 =	rddreg [dreg:$0x0];
	s0 =	srdreg.scid  }
0x2: {  	s9 =	stileid.u32;
	s1 =	rddreg [dreg:$0x1]  }
0x3: {  	s3 =	simm.s32 $0x0;
	s13 =	simm.s32 $0x12400;
	s14 =	simm.s32 $0x12C00  }
0x4: {  	s15 =	simm.s32 $0x13400;
	s16 =	simm.s32 $0x13C00;
	[smem:$0x7FF] =	sst s3  }
0x5: {  	s17 =	simm.s32 $0x14400;
	_ =	strace $0x80000050;
	[dreg:$0x6] =	wrdreg s13  }
0x6: {  	s18 =	simm.s32 $0x14C00;
	s19 =	simm.s32 $0x15400;
	[dreg:$0x7] =	wrdreg s14  }
0x7: {  	s20 =	simm.s32 $0x15C00;
	s21 =	simm.s32 $0x16400;
	[dreg:$0x8] =	wrdreg s15  }
0x8: {  	s22 =	simm.s32 $0x16C00;
	s23 =	simm.s32 $0x17400;
	[dreg:$0x9] =	wrdreg s16  }
0x9: {  	s24 =	simm.s32 $0x17C00;
	s25 =	simm.s32 $0x18400;
	[dreg:$0xa] =	wrdreg s17  }
0xa: {  	s31 =	simm.s32 $0x9400;
	s28 =	simm.s32 $0x10C00;
	[dreg:$0xb] =	wrdreg s18  }
0xb: {  	s29 =	simm.s32 $0x1;
	s30 =	simm.s32 $0x11400;
	[dreg:$0xc] =	wrdreg s19  }
0xc: {  	s0 =	sand.u32 $0x1, s0;
	s7 =	smul.u32 $0x240000, s9;
	[dreg:$0xd] =	wrdreg s20  }
0xd: {  	s4 =	sshll.u32 s9, $0x1;
	s9 =	smul.u32 $0x48000, s9;
	[dreg:$0xe] =	wrdreg s21  }
0xe: {  	s11 =	sadd.s32 $0x700, s2;
	s4 =	sor.u32 s0, s4;
	[dreg:$0xf] =	wrdreg s22  }
0xf: {  	s5 =	ssub.s32 $0x2, s0;
	s8 =	smul.u32 $0x120000, s0;
	[dreg:$0x10] =	wrdreg s23  }
0x10: {  	s0 =	smul.u32 $0x24000, s0;
	s13 =	simm.s32 $0x7;
	[dreg:$0x11] =	wrdreg s24  }
0x11: {  	s14 =	simm.s32 $0x1400;
	[dreg:$0x12] =	wrdreg s25;
	s24 =	simm.s32 $0xF400  }
0x12: {  	s25 =	simm.s32 $0xFC00;
	s15 =	simm.s32 $0x3;
	s16 =	simm.s32 $0x5  }
0x13: {  	s17 =	simm.s32 $0x6;
	s18 =	simm.s32 $0x0;
	s6 =	sshrl.u32 s5, $0x1  }
0x14: {  	s4 =	smul.u32 $0x280, s4;
	s12 =	ssub.s32 s5, s6;
	s5 =	sadd.s32 $0x100, s2  }
0x15: {  	s6 =	sadd.s32 $0x200, s2;
	s8 =	sadd.s32 s8, s7;
	s7 =	sadd.s32 $0x300, s2  }
0x16: {  	s4 =	sadd.s32 s4, s1;
	s1 =	sadd.s32 $0x8A00, s1;
	s10 =	sor.u32 $0x10000, s8  }
0x17: {  	s8 =	sadd.s32 $0x400, s2;
	s12 =	smax.u32 s12, $0x1;
	s9 =	sadd.s32 s9, s1  }
0x18: {  	s4 =	sadd.s32 $0x3A00, s4;
	s10 =	sshrl.u32 s10, $0x3;
	s0 =	sadd.s32 s0, s9  }
0x19: {  	s9 =	sadd.s32 $0x500, s2;
	s26 =	sadd.s32 s10, s1;
	[dreg:$0x3] =	wrdreg s0  }
0x1a: {  	v2 =	vlaneseq.u32;
	s10 =	sadd.s32 $0x600, s2;
	s1 =	simm.s32 $0x11C00;
	[dreg:$0x4] =	wrdreg s26  }
0x1b: {  	vm0 =	vmmov $0xffff;
	v1 =	vshrl.u32 v2, $0x3;
	[dreg:$0x5] =	wrdreg s1;
	s26 =	simm.s32 $0x18C00;
	s1 =	simm.s32 $0x2  }
0x1c: {  	v0 =	vand.u32 $0x7, v2;
	v2 =	vor.u32 $0x8, v2;
	v1 =	vmul.u32 $0x8, v1;
	s0 =	simm.s32 $0x4;
	[dreg:$0x13] =	wrdreg s26;
	s26 =	simm.s32 $0x10400  }
.LBB2_1:
0x1d: {  	[tilespmem:s3], [sflag:$0x7] =	stream.linear.gather [hbm4b:s4+s3], $0x1200, $0x38;
	[tilespmem:$0x19400] =	vst v63  }
0x1e: {  	_ =	swait.ge [sflag:s13], $0x1200  }
0x1f: {  	[sflag:s13] =	ssyncset.done $0x0  }
0x20: {  	[sflag:s13] =	ssyncadd.s32 $0xFFFFEE00  }
0x21: {  	v3 =	vld [tilespmem:$0x0];
	_ =	sdelay $0x4  }
0x22: {  	v4 =	vshll.u32 v3, $0x4  }
0x23: {  	v3 =	vand.u32 $0x7, v3;
	v4 =	vand.u32 $0xFFFFFF80, v4  }
0x24: {  	v3 =	vor.u32 v3, v4  }
0x25: {  	v4 =	vperm.xlane v3, v0;
	_ =	sdelay $0x1  }
0x26: {  	v4 =	vadd.s32 v1, v4;
	_ =	sdelay $0x4  }
0x27: {  	[tilespmem:s14], [sflag:$0x1] =	stream.indirect_vreg.gather [hbm4b:s2+s3], $0x80, v4, vm0, $0xb8;
	[tilespmem:$0x19400] =	vst v63  }
0x28: {  	s19 =	simm.s32 $0x1C00  }
0x29: {  	[tilespmem:s19], [sflag:$0x1] =	stream.indirect_vreg.gather [hbm4b:s5+s3], $0x80, v4, vm0, $0xb8;
	[tilespmem:$0x19400] =	vst v63  }
0x2a: {  	s23 =	simm.s32 $0x2400  }
0x2b: {  	[tilespmem:s23], [sflag:$0x1] =	stream.indirect_vreg.gather [hbm4b:s6+s3], $0x80, v4, vm0, $0xb8;
	[tilespmem:$0x19400] =	vst v63  }
0x2c: {  	s20 =	simm.s32 $0x2C00  }
0x2d: {  	[tilespmem:s20], [sflag:$0x1] =	stream.indirect_vreg.gather [hbm4b:s7+s3], $0x80, v4, vm0, $0xb8;
	[tilespmem:$0x19400] =	vst v63  }
0x2e: {  	s21 =	simm.s32 $0x3400  }
0x2f: {  	[tilespmem:s21], [sflag:$0x1] =	stream.indirect_vreg.gather [hbm4b:s8+s3], $0x80, v4, vm0, $0xb8;
	[tilespmem:$0x19400] =	vst v63  }
0x30: {  	s22 =	simm.s32 $0x3C00;
	v3 =	vperm.xlane v3, v2  }
0x31: {  	[tilespmem:s22], [sflag:$0x1] =	stream.indirect_vreg.gather [hbm4b:s9+s3], $0x80, v4, vm0, $0xb8;
	[tilespmem:$0x19400] =	vst v63  }
0x32: {  	v3 =	vadd.s32 v1, v3;
	s23 =	simm.s32 $0x4400  }
0x33: {  	[tilespmem:s23], [sflag:$0x1] =	stream.indirect_vreg.gather [hbm4b:s10+s3], $0x80, v4, vm0, $0xb8;
	[tilespmem:$0x19400] =	vst v63  }
0x34: {  	s20 =	simm.s32 $0x4C00  }
0x35: {  	[tilespmem:s20], [sflag:$0x1] =	stream.indirect_vreg.gather [hbm4b:s11+s3], $0x80, v4, vm0, $0xb8;
	[tilespmem:$0x19400] =	vst v63  }
0x36: {  	s21 =	simm.s32 $0x5400  }
0x37: {  	[tilespmem:s21], [sflag:$0x1] =	stream.indirect_vreg.gather [hbm4b:s2+s3], $0x80, v3, vm0, $0xb8;
	[tilespmem:$0x19400] =	vst v63  }
0x38: {  	s22 =	simm.s32 $0x5C00  }
0x39: {  	[tilespmem:s22], [sflag:$0x1] =	stream.indirect_vreg.gather [hbm4b:s5+s3], $0x80, v3, vm0, $0xb8;
	[tilespmem:$0x19400] =	vst v63  }
0x3a: {  	s23 =	simm.s32 $0x6400  }
0x3b: {  	[tilespmem:s23], [sflag:$0x1] =	stream.indirect_vreg.gather [hbm4b:s6+s3], $0x80, v3, vm0, $0xb8;
	[tilespmem:$0x19400] =	vst v63  }
0x3c: {  	s20 =	simm.s32 $0x6C00  }
0x3d: {  	[tilespmem:s20], [sflag:$0x1] =	stream.indirect_vreg.gather [hbm4b:s7+s3], $0x80, v3, vm0, $0xb8;
	[tilespmem:$0x19400] =	vst v63  }
0x3e: {  	s21 =	simm.s32 $0x7400  }
0x3f: {  	[tilespmem:s21], [sflag:$0x1] =	stream.indirect_vreg.gather [hbm4b:s8+s3], $0x80, v3, vm0, $0xb8;
	[tilespmem:$0x19400] =	vst v63  }
0x40: {  	s22 =	simm.s32 $0x7C00  }
0x41: {  	[tilespmem:s22], [sflag:$0x1] =	stream.indirect_vreg.gather [hbm4b:s9+s3], $0x80, v3, vm0, $0xb8;
	[tilespmem:$0x19400] =	vst v63  }
0x42: {  	s23 =	simm.s32 $0x8400  }
0x43: {  	[tilespmem:s23], [sflag:$0x1] =	stream.indirect_vreg.gather [hbm4b:s10+s3], $0x80, v3, vm0, $0xb8;
	[tilespmem:$0x19400] =	vst v63  }
0x44: {  	s20 =	simm.s32 $0x8C00  }
0x45: {  	[tilespmem:s20], [sflag:$0x1] =	stream.indirect_vreg.gather [hbm4b:s11+s3], $0x80, v3, vm0, $0xb8;
	[tilespmem:$0x19400] =	vst v63  }
0x46: {  	v3 =	vld [tilespmem:$0x80];
	_ =	sdelay $0x4  }
0x47: {  	v63 =	vshll.u32 v3, $0x4  }
0x48: {  	v3 =	vand.u32 $0x7, v3;
	v4 =	vand.u32 $0xFFFFFF80, v63  }
0x49: {  	v3 =	vor.u32 v3, v4  }
0x4a: {  	v4 =	vperm.xlane v3, v0;
	_ =	sdelay $0x1  }
0x4b: {  	v4 =	vadd.s32 v1, v4;
	_ =	sdelay $0x4  }
0x4c: {  	[tilespmem:s31], [sflag:$0x2] =	stream.indirect_vreg.gather [hbm4b:s2+s3], $0x80, v4, vm0, $0xb8;
	[tilespmem:$0x19400] =	vst v63  }
0x4d: {  	s21 =	simm.s32 $0x9C00  }
0x4e: {  	[tilespmem:s21], [sflag:$0x2] =	stream.indirect_vreg.gather [hbm4b:s5+s3], $0x80, v4, vm0, $0xb8;
	[tilespmem:$0x19400] =	vst v63  }
0x4f: {  	s22 =	simm.s32 $0xA400  }
0x50: {  	[tilespmem:s22], [sflag:$0x2] =	stream.indirect_vreg.gather [hbm4b:s6+s3], $0x80, v4, vm0, $0xb8;
	[tilespmem:$0x19400] =	vst v63  }
0x51: {  	s23 =	simm.s32 $0xAC00  }
0x52: {  	[tilespmem:s23], [sflag:$0x2] =	stream.indirect_vreg.gather [hbm4b:s7+s3], $0x80, v4, vm0, $0xb8;
	[tilespmem:$0x19400] =	vst v63  }
0x53: {  	s20 =	simm.s32 $0xB400  }
0x54: {  	[tilespmem:s20], [sflag:$0x2] =	stream.indirect_vreg.gather [hbm4b:s8+s3], $0x80, v4, vm0, $0xb8;
	[tilespmem:$0x19400] =	vst v63  }
0x55: {  	v3 =	vperm.xlane v3, v2;
	s21 =	simm.s32 $0xBC00  }
0x56: {  	[tilespmem:s21], [sflag:$0x2] =	stream.indirect_vreg.gather [hbm4b:s9+s3], $0x80, v4, vm0, $0xb8;
	[tilespmem:$0x19400] =	vst v63  }
0x57: {  	v3 =	vadd.s32 v1, v3;
	s22 =	simm.s32 $0xC400  }
0x58: {  	[tilespmem:s22], [sflag:$0x2] =	stream.indirect_vreg.gather [hbm4b:s10+s3], $0x80, v4, vm0, $0xb8;
	[tilespmem:$0x19400] =	vst v63  }
0x59: {  	s23 =	simm.s32 $0xCC00  }
0x5a: {  	[tilespmem:s23], [sflag:$0x2] =	stream.indirect_vreg.gather [hbm4b:s11+s3], $0x80, v4, vm0, $0xb8;
	[tilespmem:$0x19400] =	vst v63  }
0x5b: {  	s20 =	simm.s32 $0xD400  }
0x5c: {  	[tilespmem:s20], [sflag:$0x2] =	stream.indirect_vreg.gather [hbm4b:s2+s3], $0x80, v3, vm0, $0xb8;
	[tilespmem:$0x19400] =	vst v63  }
0x5d: {  	s21 =	simm.s32 $0xDC00  }
0x5e: {  	[tilespmem:s21], [sflag:$0x2] =	stream.indirect_vreg.gather [hbm4b:s5+s3], $0x80, v3, vm0, $0xb8;
	[tilespmem:$0x19400] =	vst v63  }
0x5f: {  	s22 =	simm.s32 $0xE400  }
0x60: {  	[tilespmem:s22], [sflag:$0x2] =	stream.indirect_vreg.gather [hbm4b:s6+s3], $0x80, v3, vm0, $0xb8;
	[tilespmem:$0x19400] =	vst v63  }
0x61: {  	s23 =	simm.s32 $0xEC00  }
0x62: {  	[tilespmem:s23], [sflag:$0x2] =	stream.indirect_vreg.gather [hbm4b:s7+s3], $0x80, v3, vm0, $0xb8;
	[tilespmem:$0x19400] =	vst v63  }
0x63: {  	_ = 	snop  }
0x64: {  	[tilespmem:s24], [sflag:$0x2] =	stream.indirect_vreg.gather [hbm4b:s8+s3], $0x80, v3, vm0, $0xb8;
	[tilespmem:$0x19400] =	vst v63  }
0x65: {  	_ = 	snop  }
0x66: {  	[tilespmem:s25], [sflag:$0x2] =	stream.indirect_vreg.gather [hbm4b:s9+s3], $0x80, v3, vm0, $0xb8;
	[tilespmem:$0x19400] =	vst v63  }
0x67: {  	_ = 	snop  }
0x68: {  	[tilespmem:s26], [sflag:$0x2] =	stream.indirect_vreg.gather [hbm4b:s10+s3], $0x80, v3, vm0, $0xb8;
	[tilespmem:$0x19400] =	vst v63  }
0x69: {  	s19 =	simm.s32 $0x100;
	s20 =	simm.s32 $0x0  }
0x6a: {  	[tilespmem:s28], [sflag:$0x2] =	stream.indirect_vreg.gather [hbm4b:s11+s3], $0x80, v3, vm0, $0xb8;
	[tilespmem:$0x19400] =	vst v63  }
.LBB2_2:
0x6b: {  	p0 =	seq.s32 s20, $0x0  }
0x6c: {  	s21 =	simm.s32 @!p0 $0x5  }
0x6d: {  	_ =	swait.ge @!p0 [sflag:s21], $0x8000  }
0x6e: {  	[sflag:s21] =	ssyncset.done @!p0 $0x0  }
0x6f: {  	[sflag:s21] =	ssyncadd.s32 @!p0 $0xFFFF8000  }
0x70: {  	v3 =	vld @!p0 [tilespmem:s19+$0xFFFFFF80];
	_ =	sdelay $0x4  }
0x71: {  	v4 =	vshll.u32 @!p0 v3, $0x4  }
0x72: {  	v5 =	vlaneseq.u32 @!p0;
	v3 =	vand.u32 @!p0 $0x7, v3;
	v4 =	vand.u32 @!p0 $0xFFFFFF80, v4  }
0x73: {  	v6 =	vshrl.u32 @!p0 v5, $0x3;
	v3 =	vor.u32 @!p0 v3, v4;
	v4 =	vand.u32 @!p0 $0x7, v5  }
0x74: {  	v6 =	vmul.u32 @!p0 $0x8, v6;
	v4 =	vperm.xlane @!p0 v3, v4;
	_ =	sdelay $0x1  }
0x75: {  	v4 =	vadd.s32 @!p0 v6, v4;
	_ =	sdelay $0x3  }
0x76: {  	vm1 =	vmmov @!p0 $0xffff;
	s22 =	simm.s32 @!p0 $0x9400;
	s21 =	simm.s32 @!p0 $0x0  }
0x77: {  	[tilespmem:s22], [sflag:$0x2] =	stream.indirect_vreg.gather @!p0 [hbm4b:s2+s21], $0x80, v4, vm1, $0xb8;
	[tilespmem:$0x19400] =	vst v63  }
0x78: {  	s22 =	simm.s32 @!p0 $0x9C00  }
0x79: {  	[tilespmem:s22], [sflag:$0x2] =	stream.indirect_vreg.gather @!p0 [hbm4b:s5+s21], $0x80, v4, vm1, $0xb8;
	[tilespmem:$0x19400] =	vst v63  }
0x7a: {  	s22 =	simm.s32 @!p0 $0xA400  }
0x7b: {  	[tilespmem:s22], [sflag:$0x2] =	stream.indirect_vreg.gather @!p0 [hbm4b:s6+s21], $0x80, v4, vm1, $0xb8;
	[tilespmem:$0x19400] =	vst v63  }
0x7c: {  	s22 =	simm.s32 @!p0 $0xAC00  }
0x7d: {  	[tilespmem:s22], [sflag:$0x2] =	stream.indirect_vreg.gather @!p0 [hbm4b:s7+s21], $0x80, v4, vm1, $0xb8;
	[tilespmem:$0x19400] =	vst v63  }
0x7e: {  	s22 =	simm.s32 @!p0 $0xB400  }
0x7f: {  	v5 =	vor.u32 @!p0 $0x8, v5;
	[tilespmem:s22], [sflag:$0x2] =	stream.indirect_vreg.gather @!p0 [hbm4b:s8+s21], $0x80, v4, vm1, $0xb8;
	[tilespmem:$0x19400] =	vst v63  }
0x80: {  	v3 =	vperm.xlane @!p0 v3, v5;
	s22 =	simm.s32 @!p0 $0xBC00  }
0x81: {  	[tilespmem:s22], [sflag:$0x2] =	stream.indirect_vreg.gather @!p0 [hbm4b:s9+s21], $0x80, v4, vm1, $0xb8;
	[tilespmem:$0x19400] =	vst v63  }
0x82: {  	v3 =	vadd.s32 @!p0 v6, v3;
	s22 =	simm.s32 @!p0 $0xC400  }
0x83: {  	[tilespmem:s22], [sflag:$0x2] =	stream.indirect_vreg.gather @!p0 [hbm4b:s10+s21], $0x80, v4, vm1, $0xb8;
	[tilespmem:$0x19400] =	vst v63  }
0x84: {  	s22 =	simm.s32 @!p0 $0xCC00  }
0x85: {  	[tilespmem:s22], [sflag:$0x2] =	stream.indirect_vreg.gather @!p0 [hbm4b:s11+s21], $0x80, v4, vm1, $0xb8;
	[tilespmem:$0x19400] =	vst v63  }
0x86: {  	s22 =	simm.s32 @!p0 $0xD400  }
0x87: {  	[tilespmem:s22], [sflag:$0x2] =	stream.indirect_vreg.gather @!p0 [hbm4b:s2+s21], $0x80, v3, vm1, $0xb8;
	[tilespmem:$0x19400] =	vst v63  }
0x88: {  	s22 =	simm.s32 @!p0 $0xDC00  }
0x89: {  	[tilespmem:s22], [sflag:$0x2] =	stream.indirect_vreg.gather @!p0 [hbm4b:s5+s21], $0x80, v3, vm1, $0xb8;
	[tilespmem:$0x19400] =	vst v63  }
0x8a: {  	s22 =	simm.s32 @!p0 $0xE400  }
0x8b: {  	[tilespmem:s22], [sflag:$0x2] =	stream.indirect_vreg.gather @!p0 [hbm4b:s6+s21], $0x80, v3, vm1, $0xb8;
	[tilespmem:$0x19400] =	vst v63  }
0x8c: {  	s22 =	simm.s32 @!p0 $0xEC00  }
0x8d: {  	[tilespmem:s22], [sflag:$0x2] =	stream.indirect_vreg.gather @!p0 [hbm4b:s7+s21], $0x80, v3, vm1, $0xb8;
	[tilespmem:$0x19400] =	vst v63  }
0x8e: {  	s22 =	simm.s32 @!p0 $0xF400  }
0x8f: {  	[tilespmem:s22], [sflag:$0x2] =	stream.indirect_vreg.gather @!p0 [hbm4b:s8+s21], $0x80, v3, vm1, $0xb8;
	[tilespmem:$0x19400] =	vst v63  }
0x90: {  	s22 =	simm.s32 @!p0 $0xFC00  }
0x91: {  	[tilespmem:s22], [sflag:$0x2] =	stream.indirect_vreg.gather @!p0 [hbm4b:s9+s21], $0x80, v3, vm1, $0xb8;
	[tilespmem:$0x19400] =	vst v63  }
0x92: {  	s22 =	simm.s32 @!p0 $0x10400  }
0x93: {  	[tilespmem:s22], [sflag:$0x2] =	stream.indirect_vreg.gather @!p0 [hbm4b:s10+s21], $0x80, v3, vm1, $0xb8;
	[tilespmem:$0x19400] =	vst v63  }
0x94: {  	s22 =	simm.s32 @!p0 $0x10C00  }
0x95: {  	[tilespmem:s22], [sflag:$0x2] =	stream.indirect_vreg.gather @!p0 [hbm4b:s11+s21], $0x80, v3, vm1, $0xb8;
	[tilespmem:$0x19400] =	vst v63  }
0x96: {  	_ =	swait.ge [sflag:s29], $0x8000  }
0x97: {  	s22 =	rddreg [dreg:$0x3];
	[sflag:s29] =	ssyncset.done $0x0  }
0x98: {  	[sflag:s29] =	ssyncadd.s32 $0xFFFF8000;
	s21 =	sadd.s32 s20, s22;
	s22 =	simm.s32 @!p0 $0x6  }
0x99: {  	[hbm4b:s21+s3] =	stream.linear.scatter [tilespmem:s14], [sflag:$0x4], $0x8000, $0x38;
	[tilespmem:$0x19400] =	vst v63  }
0x9a: {  	_ =	swait.ge @!p0 [sflag:s22], $0x8000  }
0x9b: {  	[sflag:s22] =	ssyncset.done @!p0 $0x0  }
0x9c: {  	[sflag:s22] =	ssyncadd.s32 @!p0 $0xFFFF8000  }
0x9d: {  	v3 =	vld [tilespmem:s19+$0x0];
	_ =	sdelay $0x4  }
0x9e: {  	v63 =	vshll.u32 v3, $0x4  }
0x9f: {  	v3 =	vand.u32 $0x7, v3;
	v4 =	vand.u32 $0xFFFFFF80, v63  }
0xa0: {  	v3 =	vor.u32 v3, v4  }
0xa1: {  	v4 =	vperm.xlane v3, v0;
	_ =	sdelay $0x1  }
0xa2: {  	v4 =	vadd.s32 v1, v4;
	_ =	sdelay $0x4  }
0xa3: {  	[tilespmem:s30], [sflag:$0x3] =	stream.indirect_vreg.gather [hbm4b:s2+s3], $0x80, v4, vm0, $0xb8;
	[tilespmem:$0x19400] =	vst v63  }
0xa4: {  	s22 =	rddreg [dreg:$0x5]  }
0xa5: {  	[tilespmem:s22], [sflag:$0x3] =	stream.indirect_vreg.gather [hbm4b:s5+s3], $0x80, v4, vm0, $0xb8;
	[tilespmem:$0x19400] =	vst v63  }
0xa6: {  	s23 =	rddreg [dreg:$0x6]  }
0xa7: {  	[tilespmem:s23], [sflag:$0x3] =	stream.indirect_vreg.gather [hbm4b:s6+s3], $0x80, v4, vm0, $0xb8;
	[tilespmem:$0x19400] =	vst v63  }
0xa8: {  	s22 =	rddreg [dreg:$0x7]  }
0xa9: {  	[tilespmem:s22], [sflag:$0x3] =	stream.indirect_vreg.gather [hbm4b:s7+s3], $0x80, v4, vm0, $0xb8;
	[tilespmem:$0x19400] =	vst v63  }
0xaa: {  	s23 =	rddreg [dreg:$0x8]  }
0xab: {  	[tilespmem:s23], [sflag:$0x3] =	stream.indirect_vreg.gather [hbm4b:s8+s3], $0x80, v4, vm0, $0xb8;
	[tilespmem:$0x19400] =	vst v63  }
0xac: {  	v3 =	vperm.xlane v3, v2;
	s22 =	rddreg [dreg:$0x9]  }
0xad: {  	[tilespmem:s22], [sflag:$0x3] =	stream.indirect_vreg.gather [hbm4b:s9+s3], $0x80, v4, vm0, $0xb8;
	[tilespmem:$0x19400] =	vst v63  }
0xae: {  	v3 =	vadd.s32 v1, v3;
	s23 =	rddreg [dreg:$0xa]  }
0xaf: {  	[tilespmem:s23], [sflag:$0x3] =	stream.indirect_vreg.gather [hbm4b:s10+s3], $0x80, v4, vm0, $0xb8;
	[tilespmem:$0x19400] =	vst v63  }
0xb0: {  	s22 =	rddreg [dreg:$0xb]  }
0xb1: {  	[tilespmem:s22], [sflag:$0x3] =	stream.indirect_vreg.gather [hbm4b:s11+s3], $0x80, v4, vm0, $0xb8;
	[tilespmem:$0x19400] =	vst v63  }
0xb2: {  	s23 =	rddreg [dreg:$0xc]  }
0xb3: {  	[tilespmem:s23], [sflag:$0x3] =	stream.indirect_vreg.gather [hbm4b:s2+s3], $0x80, v3, vm0, $0xb8;
	[tilespmem:$0x19400] =	vst v63  }
0xb4: {  	s22 =	rddreg [dreg:$0xd]  }
0xb5: {  	[tilespmem:s22], [sflag:$0x3] =	stream.indirect_vreg.gather [hbm4b:s5+s3], $0x80, v3, vm0, $0xb8;
	[tilespmem:$0x19400] =	vst v63  }
0xb6: {  	s23 =	rddreg [dreg:$0xe]  }
0xb7: {  	[tilespmem:s23], [sflag:$0x3] =	stream.indirect_vreg.gather [hbm4b:s6+s3], $0x80, v3, vm0, $0xb8;
	[tilespmem:$0x19400] =	vst v63  }
0xb8: {  	s22 =	rddreg [dreg:$0xf]  }
0xb9: {  	[tilespmem:s22], [sflag:$0x3] =	stream.indirect_vreg.gather [hbm4b:s7+s3], $0x80, v3, vm0, $0xb8;
	[tilespmem:$0x19400] =	vst v63  }
0xba: {  	s23 =	rddreg [dreg:$0x10]  }
0xbb: {  	[tilespmem:s23], [sflag:$0x3] =	stream.indirect_vreg.gather [hbm4b:s8+s3], $0x80, v3, vm0, $0xb8;
	[tilespmem:$0x19400] =	vst v63  }
0xbc: {  	s22 =	rddreg [dreg:$0x11]  }
0xbd: {  	[tilespmem:s22], [sflag:$0x3] =	stream.indirect_vreg.gather [hbm4b:s9+s3], $0x80, v3, vm0, $0xb8;
	[tilespmem:$0x19400] =	vst v63  }
0xbe: {  	s23 =	rddreg [dreg:$0x12]  }
0xbf: {  	[tilespmem:s23], [sflag:$0x3] =	stream.indirect_vreg.gather [hbm4b:s10+s3], $0x80, v3, vm0, $0xb8;
	[tilespmem:$0x19400] =	vst v63  }
0xc0: {  	s22 =	rddreg [dreg:$0x13]  }
0xc1: {  	[tilespmem:s22], [sflag:$0x3] =	stream.indirect_vreg.gather [hbm4b:s11+s3], $0x80, v3, vm0, $0xb8;
	[tilespmem:$0x19400] =	vst v63  }
0xc2: {  	_ =	swait.ge [sflag:s1], $0x8000  }
0xc3: {  	[sflag:s1] =	ssyncset.done $0x0  }
0xc4: {  	s21 =	sadd.s32 $0x1000, s21;
	[sflag:s1] =	ssyncadd.s32 $0xFFFF8000  }
0xc5: {  	[hbm4b:s21+s3] =	stream.linear.scatter [tilespmem:s31], [sflag:$0x5], $0x8000, $0x38;
	[tilespmem:$0x19400] =	vst v63  }
0xc6: {  	_ =	swait.ge [sflag:s0], $0x8000  }
0xc7: {  	[sflag:s0] =	ssyncset.done $0x0  }
0xc8: {  	p0 =	seq.s32 s20, $0x21000;
	[sflag:s0] =	ssyncadd.s32 $0xFFFF8000  }
0xc9: {  	v3 =	vld @!p0 [tilespmem:s19+$0x80];
	_ =	sdelay $0x4  }
0xca: {  	v4 =	vshll.u32 @!p0 v3, $0x4  }
0xcb: {  	v5 =	vlaneseq.u32 @!p0;
	v3 =	vand.u32 @!p0 $0x7, v3;
	v4 =	vand.u32 @!p0 $0xFFFFFF80, v4  }
0xcc: {  	v6 =	vshrl.u32 @!p0 v5, $0x3;
	v3 =	vor.u32 @!p0 v3, v4;
	v4 =	vand.u32 @!p0 $0x7, v5  }
0xcd: {  	v6 =	vmul.u32 @!p0 $0x8, v6;
	v4 =	vperm.xlane @!p0 v3, v4;
	_ =	sdelay $0x1  }
0xce: {  	v4 =	vadd.s32 @!p0 v6, v4;
	_ =	sdelay $0x3  }
0xcf: {  	vm1 =	vmmov @!p0 $0xffff;
	s22 =	simm.s32 @!p0 $0x1400;
	s21 =	simm.s32 @!p0 $0x0  }
0xd0: {  	[tilespmem:s22], [sflag:$0x1] =	stream.indirect_vreg.gather @!p0 [hbm4b:s2+s21], $0x80, v4, vm1, $0xb8;
	[tilespmem:$0x19400] =	vst v63  }
0xd1: {  	s22 =	simm.s32 @!p0 $0x1C00  }
0xd2: {  	[tilespmem:s22], [sflag:$0x1] =	stream.indirect_vreg.gather @!p0 [hbm4b:s5+s21], $0x80, v4, vm1, $0xb8;
	[tilespmem:$0x19400] =	vst v63  }
0xd3: {  	s22 =	simm.s32 @!p0 $0x2400  }
0xd4: {  	[tilespmem:s22], [sflag:$0x1] =	stream.indirect_vreg.gather @!p0 [hbm4b:s6+s21], $0x80, v4, vm1, $0xb8;
	[tilespmem:$0x19400] =	vst v63  }
0xd5: {  	s22 =	simm.s32 @!p0 $0x2C00  }
0xd6: {  	[tilespmem:s22], [sflag:$0x1] =	stream.indirect_vreg.gather @!p0 [hbm4b:s7+s21], $0x80, v4, vm1, $0xb8;
	[tilespmem:$0x19400] =	vst v63  }
0xd7: {  	s22 =	simm.s32 @!p0 $0x3400  }
0xd8: {  	v5 =	vor.u32 @!p0 $0x8, v5;
	[tilespmem:s22], [sflag:$0x1] =	stream.indirect_vreg.gather @!p0 [hbm4b:s8+s21], $0x80, v4, vm1, $0xb8;
	[tilespmem:$0x19400] =	vst v63  }
0xd9: {  	v3 =	vperm.xlane @!p0 v3, v5;
	s22 =	simm.s32 @!p0 $0x3C00  }
0xda: {  	[tilespmem:s22], [sflag:$0x1] =	stream.indirect_vreg.gather @!p0 [hbm4b:s9+s21], $0x80, v4, vm1, $0xb8;
	[tilespmem:$0x19400] =	vst v63  }
0xdb: {  	v3 =	vadd.s32 @!p0 v6, v3;
	s22 =	simm.s32 @!p0 $0x4400  }
0xdc: {  	[tilespmem:s22], [sflag:$0x1] =	stream.indirect_vreg.gather @!p0 [hbm4b:s10+s21], $0x80, v4, vm1, $0xb8;
	[tilespmem:$0x19400] =	vst v63  }
0xdd: {  	s22 =	simm.s32 @!p0 $0x4C00  }
0xde: {  	[tilespmem:s22], [sflag:$0x1] =	stream.indirect_vreg.gather @!p0 [hbm4b:s11+s21], $0x80, v4, vm1, $0xb8;
	[tilespmem:$0x19400] =	vst v63  }
0xdf: {  	s22 =	simm.s32 @!p0 $0x5400  }
0xe0: {  	[tilespmem:s22], [sflag:$0x1] =	stream.indirect_vreg.gather @!p0 [hbm4b:s2+s21], $0x80, v3, vm1, $0xb8;
	[tilespmem:$0x19400] =	vst v63  }
0xe1: {  	s22 =	simm.s32 @!p0 $0x5C00  }
0xe2: {  	[tilespmem:s22], [sflag:$0x1] =	stream.indirect_vreg.gather @!p0 [hbm4b:s5+s21], $0x80, v3, vm1, $0xb8;
	[tilespmem:$0x19400] =	vst v63  }
0xe3: {  	s22 =	simm.s32 @!p0 $0x6400  }
0xe4: {  	[tilespmem:s22], [sflag:$0x1] =	stream.indirect_vreg.gather @!p0 [hbm4b:s6+s21], $0x80, v3, vm1, $0xb8;
	[tilespmem:$0x19400] =	vst v63  }
0xe5: {  	s22 =	simm.s32 @!p0 $0x6C00  }
0xe6: {  	[tilespmem:s22], [sflag:$0x1] =	stream.indirect_vreg.gather @!p0 [hbm4b:s7+s21], $0x80, v3, vm1, $0xb8;
	[tilespmem:$0x19400] =	vst v63  }
0xe7: {  	s22 =	simm.s32 @!p0 $0x7400  }
0xe8: {  	[tilespmem:s22], [sflag:$0x1] =	stream.indirect_vreg.gather @!p0 [hbm4b:s8+s21], $0x80, v3, vm1, $0xb8;
	[tilespmem:$0x19400] =	vst v63  }
0xe9: {  	s22 =	simm.s32 @!p0 $0x7C00  }
0xea: {  	[tilespmem:s22], [sflag:$0x1] =	stream.indirect_vreg.gather @!p0 [hbm4b:s9+s21], $0x80, v3, vm1, $0xb8;
	[tilespmem:$0x19400] =	vst v63  }
0xeb: {  	s22 =	simm.s32 @!p0 $0x8400  }
0xec: {  	[tilespmem:s22], [sflag:$0x1] =	stream.indirect_vreg.gather @!p0 [hbm4b:s10+s21], $0x80, v3, vm1, $0xb8;
	[tilespmem:$0x19400] =	vst v63  }
0xed: {  	s22 =	simm.s32 @!p0 $0x8C00  }
0xee: {  	[tilespmem:s22], [sflag:$0x1] =	stream.indirect_vreg.gather @!p0 [hbm4b:s11+s21], $0x80, v3, vm1, $0xb8;
	[tilespmem:$0x19400] =	vst v63  }
0xef: {  	_ =	swait.ge [sflag:s15], $0x8000  }
0xf0: {  	s23 =	rddreg [dreg:$0x4]  }
0xf1: {  	s21 =	sadd.s32 s20, s23;
	s20 =	sadd.s32 $0x3000, s20  }
0xf2: {  	p0 =	sne.s32 s20, $0x24000  }
.Ltmp0:
0xf3: {  	_ = 	snop;
	(pc) =	sbr.rel @p0 .LBB2_2-.Ltmp0, $4  }
0xf4: {  	_ = 	snop  }
0xf5: {  	[sflag:s15] =	ssyncset.done $0x0  }
0xf6: {  	s19 =	sadd.s32 $0x180, s19;
	[sflag:s15] =	ssyncadd.s32 $0xFFFF8000  }
0xf7: {  	[hbm4b:s21+s3] =	stream.linear.scatter [tilespmem:s30], [sflag:$0x6], $0x8000, $0x38;
	[tilespmem:$0x19400] =	vst v63  }
0xf8: {  	s18 =	sadd.s32 $0x1, s18  }
0xf9: {  	_ =	swait.ge [sflag:s16], $0x8000;
	p0 =	sne.s32 s18, s12  }
.Ltmp1:
0xfa: {  	[sflag:s16] =	ssyncset.done $0x0;
	(pc) =	sbr.rel @p0 .LBB2_1-.Ltmp1, $4  }
0xfb: {  	[sflag:s16] =	ssyncadd.s32 $0xFFFF8000  }
0xfc: {  	_ =	swait.ge [sflag:s17], $0x8000  }
0xfd: {  	[sflag:s17] =	ssyncset.done $0x0  }
0xfe: {  	[sflag:s17] =	ssyncadd.s32 $0xFFFF8000  }
0xff: {  	_ =	sfence.sel $0x180000  }
0x100: {  	[bflag:$0x0] =	sbarrier.arrive $0xFFFF  }
0x101: {  	_ =	strace $0x90000050  }
0x102: {  	s0 =	stileid.u32;
	[bflag:$0x2] =	sbarrier.arrive $0xFFFF  }
0x103: {  	p0 =	sne.s32 s0, $0x0;
	s0 =	rddreg [dreg:$0x2]  }
0x104: {  	s0 =	sadd.s32 @!p0 $0x100000, s0  }
0x105: {  	[sflag:s0] =	ssyncadd.tile.s32 @!p0 $0x1;
	_ =	shalt  }
.Lfunc_end2:
_tile_overlayer_lowered:
.L_overlay_start_2:
0x106: {  	(tag) =	ssettag $0x2  }
0x107: {  	s0 =	rddreg [dreg:$0x0];
	s2 =	stileid.u32  }
0x108: {  	s1 =	rddreg [dreg:$0x1];
	p0 =	sne.s32 s2, $0x0  }
0x109: {  	s3 =	rddreg [dreg:$0x2];
	[bflag:$0x3] =	sbarrier.arrive $0xFFFF;
	s2 =	simm.s32 @!p0 $0x1C07  }
0x10a: {  	[timem:s3], [sflag:s2] =	dma.local @!p0 [hbm:s0], s1  }
0x10b: {  	s0 =	simm.s32 @!p0 $0x7  }
0x10c: {  	_ =	swait.ge @!p0 [sflag:s0], s1  }
0x10d: {  	s1 =	ssub.s32 @!p0 $0x0, s1;
	[sflag:s0] =	ssyncset.done @!p0 $0x0  }
0x10e: {  	[sflag:s0] =	ssyncadd.s32 @!p0 s1  }
0x10f: {  	[bflag:$0x3] =	sbarrier.arrive $0xFFFF  }
0x110: {  	_ =	shalt  }

// kernel: kernel.7.cloned.1.call-start
scs
__scs_entry_jumppad:
0x0: {  	(pc) =	sbr.rel $0x88, $3  }
0x1: {  	(tag) =	ssettag $0x0;
	lr =	simm.s32 $0x1  }
0x2: {  	[smem:$0x3F9C] =	sst lr;
	_ =	strace $0xD0000000  }
0x3: {  	_ = 	snop  }
0x4: {  	_ = 	snop  }
0x5: {  	_ = 	snop  }
0x6: {  	_ = 	snop  }
0x7: {  	_ = 	snop  }
__scs_overlays_trampoline_lowered:
0x8: {  	[smem:$0x3FAB] =	sst s0  }
0x9: {  	[smem:$0x3FAC] =	sst s1  }
0xa: {  	[smem:$0x3FAD] =	sst s2  }
0xb: {  	[smem:$0x3FAE] =	sst s3  }
0xc: {  	[smem:$0x3FAF] =	sst s4  }
0xd: {  	[smem:$0x3FB0] =	sst s5  }
0xe: {  	[smem:$0x3FB1] =	sst s6  }
0xf: {  	[smem:$0x3FB2] =	sst s7  }
0x10: {  	[smem:$0x3FB3] =	sst s8  }
0x11: {  	[smem:$0x3FB4] =	sst s9;
	s0 =	simm.s32 @!p0 $0x0  }
0x12: {  	s1 =	sld [smem:$0x3F9A];
	s0 =	simm.s32 @p0 $0x1  }
0x13: {  	[smem:$0x3FB5] =	sst s0;
	s0 =	simm.s32 @!p1 $0x0  }
0x14: {  	s2 =	sld [smem:$0x3F99];
	s0 =	simm.s32 @p1 $0x1  }
0x15: {  	[smem:$0x3FB6] =	sst s0;
	s0 =	simm.s32 @!p2 $0x0  }
0x16: {  	s3 =	sld [smem:$0x3FDB];
	s0 =	simm.s32 @p2 $0x1  }
0x17: {  	s4 =	simm.s32 $0x1BF5;
	[smem:$0x3FB8] =	sst s0  }
0x18: {  	s0 =	sld [smem:$0x3F9B];
	_ =	swait.ge [sflag:s4], $0x0  }
0x19: {  	s7 =	sld [smem:$0x3F9C]  }
0x1a: {  	s8 =	sadd.s32 $0xFFFFE003, lr  }
0x1b: {  	s9 =	sadd.s32 $0xFFFFFEF7, lr;
	s5 =	simm.s32 $0xFFFFFFFF;
	p2 =	slt.u32 s8, $0xFFFFF086  }
0x1c: {  	p1 =	slt.u32 s9, $0xF7A;
	s5 =	simm.s32 @!p2 $0x0  }
0x1d: {  	s5 =	simm.s32 @p1 $0x1;
	p0 =	seq.s32 s7, s2  }
0x1e: {  	s7 =	smul.u32 @!p0 $0xF7A, s2;
	p2 =	seq.s32 @!p0 s5, $0x0  }
0x1f: {  	s9 =	smul.u32 $0xF7A, s1;
	s8 =	simm.s32 @!p0 $0x1BF5;
	p2 =	por !p2, p0  }
0x20: {  	[sflag:s8] =	ssyncset.s32 @!p0 $0xFFFFF086;
	s6 =	sadd.s32 @!p0 s3, s7;
	s7 =	simm.s32 @!p0 $0x108  }
0x21: {  	s3 =	sadd.s32 s3, s9;
	s6 =	sadd.s32 @!p0 $0x88, s6;
	s7 =	simm.s32 @p2 $0x1082  }
0x22: {  	[simem:s7], [sflag:s8] =	dma.local @!p0 [hbm:s6], $0xF7A  }
0x23: {  	s9 =	sor.u32 $0xD0000000, s2;
	s6 =	simm.s32 $0x108;
	_ =	swait.ge @!p0 [sflag:s8], $0x0  }
0x24: {  	s3 =	sadd.s32 $0x88, s3;
	s6 =	simm.s32 @!p1 $0x1082;
	[sflag:s4] =	ssyncset.s32 $0xFFFFF086  }
0x25: {  	[simem:s6], [sflag:s4] =	dma.local [hbm:s3], $0xF7A  }
0x26: {  	[smem:$0x3F9C] =	sst s1;
	(tag) =	ssettag s2;
	_ =	strace s9  }
0x27: {  	s1 =	sld [smem:$0x3FAC]  }
0x28: {  	s2 =	sld [smem:$0x3FAD]  }
0x29: {  	s4 =	sld [smem:$0x3FAF]  }
0x2a: {  	p0 =	seq.s32 s5, $0x0;
	s5 =	sld [smem:$0x3FB0]  }
0x2b: {  	s6 =	sld [smem:$0x3FB1]  }
0x2c: {  	s7 =	sld [smem:$0x3FB2]  }
0x2d: {  	s3 =	simm.s32 $0x108;
	s8 =	sld [smem:$0x3FB3]  }
0x2e: {  	s3 =	simm.s32 @!p0 $0x1082;
	s9 =	sld [smem:$0x3FB4]  }
0x2f: {  	lr =	sadd.s32 s0, s3;
	s0 =	sld [smem:$0x3FAB]  }
0x30: {  	s3 =	sld [smem:$0x3FAE]  }
0x31: {  	[smem:$0x3FB7] =	sst s10  }
0x32: {  	s10 =	sld [smem:$0x3FB5];
	_ =	sdelay $0x3  }
0x33: {  	p0 =	seq.s32 s10, $0x1;
	s10 =	sld [smem:$0x3FB7];
	_ =	sdelay $0x3  }
0x34: {  	[smem:$0x3FB7] =	sst s10  }
0x35: {  	s10 =	sld [smem:$0x3FB6];
	_ =	sdelay $0x3  }
0x36: {  	p1 =	seq.s32 s10, $0x1;
	s10 =	sld [smem:$0x3FB7];
	_ =	sdelay $0x3  }
0x37: {  	[smem:$0x3FB7] =	sst s10  }
0x38: {  	s10 =	sld [smem:$0x3FB8]  }
0x39: {  	_ = 	snop;
	(pc) =	sbr.ind lr, $3  }
0x3a: {  	_ = 	snop  }
0x3b: {  	_ = 	snop  }
0x3c: {  	p2 =	seq.s32 s10, $0x1;
	s10 =	sld [smem:$0x3FB7]  }
0x3d: {  	_ =	shalt  }
0x3e: {  	_ =	shalt  }
0x3f: {  	_ =	shalt  }
0x40: {  	_ =	shalt  }
0x41: {  	_ =	shalt  }
0x42: {  	_ =	shalt  }
0x43: {  	_ =	shalt  }
0x44: {  	_ =	shalt  }
0x45: {  	_ =	shalt  }
0x46: {  	_ =	shalt  }
0x47: {  	_ =	shalt  }
0x48: {  	_ =	shalt  }
0x49: {  	_ =	shalt  }
0x4a: {  	_ =	shalt  }
0x4b: {  	_ =	shalt  }
0x4c: {  	_ =	shalt  }
0x4d: {  	_ =	shalt  }
0x4e: {  	_ =	shalt  }
0x4f: {  	_ =	shalt  }
0x50: {  	_ =	shalt  }
0x51: {  	_ =	shalt  }
0x52: {  	_ =	shalt  }
0x53: {  	_ =	shalt  }
0x54: {  	_ =	shalt  }
0x55: {  	_ =	shalt  }
0x56: {  	_ =	shalt  }
0x57: {  	_ =	shalt  }
0x58: {  	_ =	shalt  }
0x59: {  	_ =	shalt  }
0x5a: {  	_ =	shalt  }
0x5b: {  	_ =	shalt  }
0x5c: {  	_ =	shalt  }
0x5d: {  	_ =	shalt  }
0x5e: {  	_ =	shalt  }
0x5f: {  	_ =	shalt  }
0x60: {  	_ =	shalt  }
0x61: {  	_ =	shalt  }
0x62: {  	_ =	shalt  }
0x63: {  	_ =	shalt  }
0x64: {  	_ =	shalt  }
0x65: {  	_ =	shalt  }
0x66: {  	_ =	shalt  }
0x67: {  	_ =	shalt  }
0x68: {  	_ =	shalt  }
0x69: {  	_ =	shalt  }
0x6a: {  	_ =	shalt  }
0x6b: {  	_ =	shalt  }
0x6c: {  	_ =	shalt  }
0x6d: {  	_ =	shalt  }
0x6e: {  	_ =	shalt  }
0x6f: {  	_ =	shalt  }
0x70: {  	_ =	shalt  }
0x71: {  	_ =	shalt  }
0x72: {  	_ =	shalt  }
0x73: {  	_ =	shalt  }
0x74: {  	_ =	shalt  }
0x75: {  	_ =	shalt  }
0x76: {  	_ =	shalt  }
0x77: {  	_ =	shalt  }
0x78: {  	_ =	shalt  }
0x79: {  	_ =	shalt  }
0x7a: {  	_ =	shalt  }
0x7b: {  	_ =	shalt  }
0x7c: {  	_ =	shalt  }
0x7d: {  	_ =	shalt  }
0x7e: {  	_ =	shalt  }
0x7f: {  	_ =	shalt  }
0x80: {  	_ =	shalt  }
0x81: {  	_ =	shalt  }
0x82: {  	_ =	shalt  }
0x83: {  	_ =	shalt  }
0x84: {  	_ =	shalt  }
0x85: {  	_ =	shalt  }
0x86: {  	_ =	shalt  }
0x87: {  	_ =	shalt  }
.Lfunc_end0:
.L_simem_size_0:
called_computation.4_lowered:
.L_overlay_start_0:
0x88: {  	s2 =	sld [smem:$0x3FD9]  }
0x89: {  	s3 =	sld [smem:$0x3FFE];
	_ =	sdelay $0x1  }
0x8a: {  	s1 =	srdreg.scid  }
0x8b: {  	s0 =	sand.u32 $0x1, s1  }
0x8c: {  	s17 =	sshll.u32 s0, $0xA;
	s2 =	sadd.s32 s3, s2  }
0x8d: {  	s2 =	sadd.s32 s2, s17  }
0x8e: {  	[smem:$0x3FC3] =	sst s2  }
0x8f: {  	_ = 	snop  }
0x90: {  	s2 =	sld [smem:$0x3FD0];
	(tm) =	ssettm $0x1  }
0x91: {  	s18 =	sld [smem:$0x3FFB];
	_ =	sdelay $0x3  }
0x92: {  	_ =	strace s18  }
0x93: {  	s3 =	sld [smem:$0x3FFC];
	_ =	sdelay $0x3  }
0x94: {  	_ =	strace s3  }
0x95: {  	s3 =	sld [smem:$0x3FFD];
	_ =	sdelay $0x3  }
0x96: {  	_ =	strace s3  }
0x97: {  	_ =	strace $0x8FFFFFFF  }
0x98: {  	s19 =	sld [smem:$0x3FDB];
	_ =	sdelay $0x1  }
0x99: {  	s4 =	simm.s32 $_scs_section_size  }
0x9a: {  	s5 =	simm.s32 $_size__tile_overlayer_lowered;
	s6 =	simm.s32 $_tile_overlayer_lowered  }
0x9b: {  	s22 =	simm.s32 $0x1BFF;
	s21 =	sshll.u32 s6, $0x1;
	s3 =	sadd.s32 s4, s19  }
0x9c: {  	s7 =	simm.s32 $0x0;
	s20 =	sshll.u32 s5, $0x1;
	s5 =	sadd.s32 s21, s3  }
0x9d: {  	[timem:s7], [sflag:s22] =	dma.local [hbm:s5], s20  }
0x9e: {  	_ =	swait.ge [sflag:s22], s20  }
0x9f: {  	s4 =	ssub.s32 $0x0, s20;
	[sflag:s22] =	ssyncset.done $0x0  }
0xa0: {  	[sflag:s22] =	ssyncadd.s32 s4;
	_ =	sdelay $0x1  }
0xa1: {  	s23 =	simm.s32 $0x1B8B  }
0xa2: {  	_ =	swait.ge [sflag:s23], $0x1  }
0xa3: {  	[sflag:s23] =	ssyncset.done $0x0  }
0xa4: {  	s25 =	simm.s32 $0x1B8E;
	s24 =	sld [smem:$0x3FFE];
	[sflag:s23] =	ssyncadd.s32 $0xFFFFFFFF  }
0xa5: {  	s26 =	simm.s32 $execute0_lowered;
	[smem:$0x3FD2] =	sst s25  }
0xa6: {  	s5 =	sshll.u32 s26, $0x1;
	_ =	strace $0x80000052;
	[dreg:$0x1] =	wrdreg $0xFFFFFFFF  }
0xa7: {  	s28 =	simm.s32 $_size_execute0_lowered;
	s3 =	sadd.s32 s3, s5;
	[dreg:$0x0] =	wrdreg $0x0  }
0xa8: {  	s5 =	sshll.u32 s28, $0x1;
	[dreg:$0x2] =	wrdreg s3  }
0xa9: {  	[dreg:$0x3] =	wrdreg s5  }
0xaa: {  	[dreg:$0x4] =	wrdreg $0xC0  }
0xab: {  	_ =	task [dreg:s7], $0x5FFFF  }
0xac: {  	[dreg:$0x1] =	wrdreg $0xFFFFFFFF  }
0xad: {  	[dreg:$0x0] =	wrdreg $0x60  }
0xae: {  	[dreg:$0x2] =	wrdreg s24  }
0xaf: {  	[dreg:$0x3] =	wrdreg s2  }
0xb0: {  	[dreg:$0x4] =	wrdreg $0x9  }
0xb1: {  	_ =	task.clear_ibuf [dreg:s7], $0x5FFFF;
	_ =	strace $0x90000052  }
0xb2: {  	s29 =	simm.s32 $0x9;
	_ =	strace $0x80000054  }
0xb3: {  	_ =	swait.ge [sflag:s29], $0x1  }
0xb4: {  	[sflag:s29] =	ssyncadd.s32 $0xFFFFFFFF  }
0xb5: {  	_ =	strace $0x90000054  }
0xb6: {  	_ =	sfence  }
0xb7: {  	s30 =	sld [smem:$0x0];
	_ =	sdelay $0x2  }
0xb8: {  	s31 =	sshll.u32 s1, $0xD;
	s1 =	sshrl.u32 s1, $0x2  }
0xb9: {  	s3 =	sand.u32 $0x4000, s31;
	s1 =	sadd.s32 s1, s30  }
0xba: {  	s0 =	sor.u32 s3, s0;
	s1 =	sshll.u32 s1, $0x11  }
0xbb: {  	s0 =	sor.u32 s1, s0  }
0xbc: {  	s0 =	sadd.s32 $0x8F2B, s0  }
0xbd: {  	[sflag:s0] =	ssyncadd.remote.s32 $0x1  }
0xbe: {  	_ =	sfence.sel $0xFFFF  }
0xbf: {  	[dreg:$0x0] =	wrdreg $0xFFFFFFFF;
	(pc) =	sbr.abs _section_cstart, $3  }
0xc0: {  	[dreg:$0x1] =	wrdreg $0xFFFFFFFF  }
0xc1: {  	_ =	task.clear_ibuf [dreg:s7], $0x2FFFF;
	_ =	strace $0x9FFFFFFF  }
0xc2: {  	(tm) =	ssettm $0x7FFFFFFF  }
0xc3: {  	_ =	shalt  }
tec
execute0_lowered:
.L_overlay_start_1:
0x0: {  	(tag) =	ssettag $0x1  }
0x1: {  	s0 =	rddreg [dreg:$0x0];
	s1 =	srdreg.scid  }
0x2: {  	s2 =	stileid.u32;
	s4 =	rddreg [dreg:$0x1]  }
0x3: {  	s16 =	simm.s32 $0x1;
	s18 =	simm.s32 $0x2;
	s19 =	simm.s32 $0xA000  }
0x4: {  	s14 =	simm.s32 $0x3;
	s15 =	simm.s32 $0x4;
	s1 =	sand.u32 $0x1, s1  }
0x5: {  	s3 =	sshll.u32 s2, $0x1;
	s8 =	sadd.s32 $0x5D8D00, s0;
	s9 =	sadd.s32 $0x5D8E00, s0  }
0x6: {  	s2 =	simm.s32 $0x0;
	s10 =	sadd.s32 $0x5D8F00, s0;
	s11 =	sadd.s32 $0x5D9000, s0  }
0x7: {  	s12 =	sadd.s32 $0x5D9100, s0;
	s5 =	sor.u32 s1, s3;
	[smem:$0x7FF] =	sst s2  }
0x8: {  	s1 =	ssub.s32 $0x2, s1;
	s3 =	sshll.u32 s5, $0x9;
	_ =	strace $0x80000053  }
0x9: {  	s30 =	sshrl.u32 s1, $0x1;
	s5 =	sshll.u32 s5, $0x10;
	s6 =	sadd.s32 s3, s0  }
0xa: {  	s3 =	sadd.s32 $0x5D8A00, s0;
	s1 =	ssub.s32 s1, s30;
	s7 =	sadd.s32 $0x5D0A00, s6  }
0xb: {  	v0 =	vlaneseq.u32;
	s13 =	sadd.s32 s4, s5;
	s6 =	sadd.s32 $0x5D4A00, s6;
	[dreg:$0x3] =	wrdreg s7  }
0xc: {  	v1 =	vshrl.u32 v0, $0x3;
	s4 =	simm.s32 $0x0;
	s31 =	smax.u32 s1, $0x1;
	[dreg:$0x4] =	wrdreg s6  }
0xd: {  	vm0 =	vmmov $0xffff;
	v0 =	vand.u32 $0x7, v0;
	v1 =	vmul.u32 $0x8, v1;
	s6 =	sadd.s32 $0x5D8B00, s0;
	s7 =	sadd.s32 $0x5D8C00, s0;
	[dreg:$0x5] =	wrdreg s31  }
.LBB2_1:
0xe: {  	[dreg:$0x6] =	wrdreg s4  }
0xf: {  	s0 =	rddreg [dreg:$0x3];
	s1 =	simm.s32 $0x7  }
0x10: {  	[tilespmem:s2], [sflag:$0x7] =	stream.linear.gather [hbm4b:s0+s2], $0x1000, $0x38;
	[tilespmem:$0x12000] =	vst v63  }
0x11: {  	_ =	swait.ge [sflag:s1], $0x1000  }
0x12: {  	[sflag:s1] =	ssyncset.done $0x0  }
0x13: {  	s30 =	simm.s32 $0x1000;
	s29 =	rddreg [dreg:$0x4];
	[sflag:s1] =	ssyncadd.s32 $0xFFFFF000  }
0x14: {  	[tilespmem:s30], [sflag:$0x7] =	stream.linear.gather [hbm4b:s29+s2], $0x1000, $0x38;
	[tilespmem:$0x12000] =	vst v63  }
0x15: {  	_ =	swait.ge [sflag:s1], $0x1000  }
0x16: {  	[sflag:s1] =	ssyncset.done $0x0  }
0x17: {  	[sflag:s1] =	ssyncadd.s32 $0xFFFFF000  }
0x18: {  	v2 =	vld.msk [tilespmem:$0x0], $0xff;
	_ =	sdelay $0x4  }
0x19: {  	v3 =	vshll.u32 v2, $0x4  }
0x1a: {  	v2 =	vand.u32 $0x7, v2;
	v3 =	vand.u32 $0xFFFFFF80, v3  }
0x1b: {  	v2 =	vor.u32 v2, v3  }
0x1c: {  	v2 =	vperm.xlane v2, v0;
	_ =	sdelay $0x1  }
0x1d: {  	v2 =	vadd.s32 v1, v2;
	_ =	sdelay $0x3  }
0x1e: {  	s31 =	simm.s32 $0x2000  }
0x1f: {  	[tilespmem:s31], [sflag:$0x1] =	stream.indirect_vreg.gather [hbm4b:s3+s2], $0x80, v2, vm0, $0xb8;
	[tilespmem:$0x12000] =	vst v63  }
0x20: {  	s1 =	simm.s32 $0x2800  }
0x21: {  	[tilespmem:s1], [sflag:$0x1] =	stream.indirect_vreg.gather [hbm4b:s6+s2], $0x80, v2, vm0, $0xb8;
	[tilespmem:$0x12000] =	vst v63  }
0x22: {  	s4 =	simm.s32 $0x3000  }
0x23: {  	[tilespmem:s4], [sflag:$0x1] =	stream.indirect_vreg.gather [hbm4b:s7+s2], $0x80, v2, vm0, $0xb8;
	[tilespmem:$0x12000] =	vst v63  }
0x24: {  	s5 =	simm.s32 $0x3800  }
0x25: {  	[tilespmem:s5], [sflag:$0x1] =	stream.indirect_vreg.gather [hbm4b:s8+s2], $0x80, v2, vm0, $0xb8;
	[tilespmem:$0x12000] =	vst v63  }
0x26: {  	s17 =	simm.s32 $0x4000  }
0x27: {  	[tilespmem:s17], [sflag:$0x1] =	stream.indirect_vreg.gather [hbm4b:s9+s2], $0x80, v2, vm0, $0xb8;
	[tilespmem:$0x12000] =	vst v63  }
0x28: {  	s20 =	simm.s32 $0x4800  }
0x29: {  	[tilespmem:s20], [sflag:$0x1] =	stream.indirect_vreg.gather [hbm4b:s10+s2], $0x80, v2, vm0, $0xb8;
	[tilespmem:$0x12000] =	vst v63  }
0x2a: {  	s21 =	simm.s32 $0x5000  }
0x2b: {  	[tilespmem:s21], [sflag:$0x1] =	stream.indirect_vreg.gather [hbm4b:s11+s2], $0x80, v2, vm0, $0xb8;
	[tilespmem:$0x12000] =	vst v63  }
0x2c: {  	s22 =	simm.s32 $0x5800  }
0x2d: {  	[tilespmem:s22], [sflag:$0x1] =	stream.indirect_vreg.gather [hbm4b:s12+s2], $0x80, v2, vm0, $0xb8;
	[tilespmem:$0x12000] =	vst v63  }
0x2e: {  	v2 =	vld.msk [tilespmem:$0x1000], $0xff;
	_ =	sdelay $0x4  }
0x2f: {  	v3 =	vshll.u32 v2, $0x4  }
0x30: {  	v2 =	vand.u32 $0x7, v2;
	v3 =	vand.u32 $0xFFFFFF80, v3  }
0x31: {  	v2 =	vor.u32 v2, v3  }
0x32: {  	v2 =	vperm.xlane v2, v0;
	_ =	sdelay $0x1  }
0x33: {  	v2 =	vadd.s32 v1, v2;
	_ =	sdelay $0x3  }
0x34: {  	s23 =	simm.s32 $0x6000  }
0x35: {  	[tilespmem:s23], [sflag:$0x2] =	stream.indirect_vreg.gather [hbm4b:s3+s2], $0x80, v2, vm0, $0xb8;
	[tilespmem:$0x12000] =	vst v63  }
0x36: {  	s24 =	simm.s32 $0x6800  }
0x37: {  	[tilespmem:s24], [sflag:$0x2] =	stream.indirect_vreg.gather [hbm4b:s6+s2], $0x80, v2, vm0, $0xb8;
	[tilespmem:$0x12000] =	vst v63  }
0x38: {  	s25 =	simm.s32 $0x7000  }
0x39: {  	[tilespmem:s25], [sflag:$0x2] =	stream.indirect_vreg.gather [hbm4b:s7+s2], $0x80, v2, vm0, $0xb8;
	[tilespmem:$0x12000] =	vst v63  }
0x3a: {  	s26 =	simm.s32 $0x7800  }
0x3b: {  	[tilespmem:s26], [sflag:$0x2] =	stream.indirect_vreg.gather [hbm4b:s8+s2], $0x80, v2, vm0, $0xb8;
	[tilespmem:$0x12000] =	vst v63  }
0x3c: {  	s28 =	simm.s32 $0x8000  }
0x3d: {  	[tilespmem:s28], [sflag:$0x2] =	stream.indirect_vreg.gather [hbm4b:s9+s2], $0x80, v2, vm0, $0xb8;
	[tilespmem:$0x12000] =	vst v63  }
0x3e: {  	s29 =	simm.s32 $0x8800  }
0x3f: {  	[tilespmem:s29], [sflag:$0x2] =	stream.indirect_vreg.gather [hbm4b:s10+s2], $0x80, v2, vm0, $0xb8;
	[tilespmem:$0x12000] =	vst v63  }
0x40: {  	s30 =	simm.s32 $0x9000  }
0x41: {  	[tilespmem:s30], [sflag:$0x2] =	stream.indirect_vreg.gather [hbm4b:s11+s2], $0x80, v2, vm0, $0xb8;
	[tilespmem:$0x12000] =	vst v63  }
0x42: {  	s31 =	simm.s32 $0x9800;
	s17 =	simm.s32 $0x0  }
0x43: {  	[tilespmem:s31], [sflag:$0x2] =	stream.indirect_vreg.gather [hbm4b:s12+s2], $0x80, v2, vm0, $0xb8;
	[tilespmem:$0x12000] =	vst v63  }
.LBB2_2:
0x44: {  	_ =	swait.ge [sflag:s16], $0x4000  }
0x45: {  	[sflag:s16] =	ssyncset.done $0x0  }
0x46: {  	[sflag:s16] =	ssyncadd.s32 $0xFFFFC000  }
0x47: {  	_ =	swait.ge [sflag:s18], $0x4000  }
0x48: {  	p0 =	seq.s32 s17, $0x0;
	[sflag:s18] =	ssyncset.done $0x0  }
0x49: {  	s21 =	simm.s32 @!p0 $0x6;
	[sflag:s18] =	ssyncadd.s32 $0xFFFFC000  }
0x4a: {  	_ =	swait.ge @!p0 [sflag:s21], $0x4000  }
0x4b: {  	s20 =	sshllo.u32 s17, $0x1;
	[sflag:s21] =	ssyncset.done @!p0 $0x0  }
0x4c: {  	s22 =	sshll.u32 s20, $0x7;
	[sflag:s21] =	ssyncadd.s32 @!p0 $0xFFFFC000  }
0x4d: {  	v2 =	vld.msk [tilespmem:s22+$0x0], $0xff;
	_ =	sdelay $0x4  }
0x4e: {  	v3 =	vshll.u32 v2, $0x4  }
0x4f: {  	v2 =	vand.u32 $0x7, v2;
	v3 =	vand.u32 $0xFFFFFF80, v3  }
0x50: {  	v2 =	vor.u32 v2, v3  }
0x51: {  	v2 =	vperm.xlane v2, v0;
	_ =	sdelay $0x1  }
0x52: {  	v2 =	vadd.s32 v1, v2;
	_ =	sdelay $0x3  }
0x53: {  	s21 =	simm.s32 $0x0  }
0x54: {  	[tilespmem:s19], [sflag:$0x3] =	stream.indirect_vreg.gather [hbm4b:s3+s21], $0x80, v2, vm0, $0xb8;
	[tilespmem:$0x12000] =	vst v63  }
0x55: {  	s0 =	simm.s32 $0xA800  }
0x56: {  	[tilespmem:s0], [sflag:$0x3] =	stream.indirect_vreg.gather [hbm4b:s6+s21], $0x80, v2, vm0, $0xb8;
	[tilespmem:$0x12000] =	vst v63  }
0x57: {  	s29 =	simm.s32 $0xB000  }
0x58: {  	[tilespmem:s29], [sflag:$0x3] =	stream.indirect_vreg.gather [hbm4b:s7+s21], $0x80, v2, vm0, $0xb8;
	[tilespmem:$0x12000] =	vst v63  }
0x59: {  	s30 =	simm.s32 $0xB800  }
0x5a: {  	[tilespmem:s30], [sflag:$0x3] =	stream.indirect_vreg.gather [hbm4b:s8+s21], $0x80, v2, vm0, $0xb8;
	[tilespmem:$0x12000] =	vst v63  }
0x5b: {  	s31 =	simm.s32 $0xC000  }
0x5c: {  	[tilespmem:s31], [sflag:$0x3] =	stream.indirect_vreg.gather [hbm4b:s9+s21], $0x80, v2, vm0, $0xb8;
	[tilespmem:$0x12000] =	vst v63  }
0x5d: {  	s1 =	simm.s32 $0xC800  }
0x5e: {  	[tilespmem:s1], [sflag:$0x3] =	stream.indirect_vreg.gather [hbm4b:s10+s21], $0x80, v2, vm0, $0xb8;
	[tilespmem:$0x12000] =	vst v63  }
0x5f: {  	s4 =	simm.s32 $0xD000  }
0x60: {  	[tilespmem:s4], [sflag:$0x3] =	stream.indirect_vreg.gather [hbm4b:s11+s21], $0x80, v2, vm0, $0xb8;
	[tilespmem:$0x12000] =	vst v63  }
0x61: {  	s5 =	simm.s32 $0xD800  }
0x62: {  	[tilespmem:s5], [sflag:$0x3] =	stream.indirect_vreg.gather [hbm4b:s12+s21], $0x80, v2, vm0, $0xb8;
	[tilespmem:$0x12000] =	vst v63  }
0x63: {  	v2 =	vld.msk [tilespmem:s22+$0x1000], $0xff;
	_ =	sdelay $0x4  }
0x64: {  	v3 =	vshll.u32 v2, $0x4  }
0x65: {  	v2 =	vand.u32 $0x7, v2;
	v3 =	vand.u32 $0xFFFFFF80, v3  }
0x66: {  	v2 =	vor.u32 v2, v3  }
0x67: {  	v2 =	vperm.xlane v2, v0;
	_ =	sdelay $0x1  }
0x68: {  	v2 =	vadd.s32 v1, v2;
	_ =	sdelay $0x3  }
0x69: {  	s23 =	simm.s32 $0xE000  }
0x6a: {  	[tilespmem:s23], [sflag:$0x4] =	stream.indirect_vreg.gather [hbm4b:s3+s21], $0x80, v2, vm0, $0xb8;
	[tilespmem:$0x12000] =	vst v63  }
0x6b: {  	s24 =	simm.s32 $0xE800  }
0x6c: {  	[tilespmem:s24], [sflag:$0x4] =	stream.indirect_vreg.gather [hbm4b:s6+s21], $0x80, v2, vm0, $0xb8;
	[tilespmem:$0x12000] =	vst v63  }
0x6d: {  	s25 =	simm.s32 $0xF000  }
0x6e: {  	[tilespmem:s25], [sflag:$0x4] =	stream.indirect_vreg.gather [hbm4b:s7+s21], $0x80, v2, vm0, $0xb8;
	[tilespmem:$0x12000] =	vst v63  }
0x6f: {  	s26 =	simm.s32 $0xF800  }
0x70: {  	[tilespmem:s26], [sflag:$0x4] =	stream.indirect_vreg.gather [hbm4b:s8+s21], $0x80, v2, vm0, $0xb8;
	[tilespmem:$0x12000] =	vst v63  }
0x71: {  	s28 =	simm.s32 $0x10000  }
0x72: {  	[tilespmem:s28], [sflag:$0x4] =	stream.indirect_vreg.gather [hbm4b:s9+s21], $0x80, v2, vm0, $0xb8;
	[tilespmem:$0x12000] =	vst v63  }
0x73: {  	s29 =	simm.s32 $0x10800  }
0x74: {  	[tilespmem:s29], [sflag:$0x4] =	stream.indirect_vreg.gather [hbm4b:s10+s21], $0x80, v2, vm0, $0xb8;
	[tilespmem:$0x12000] =	vst v63  }
0x75: {  	s30 =	simm.s32 $0x11000  }
0x76: {  	[tilespmem:s30], [sflag:$0x4] =	stream.indirect_vreg.gather [hbm4b:s11+s21], $0x80, v2, vm0, $0xb8;
	[tilespmem:$0x12000] =	vst v63  }
0x77: {  	s31 =	simm.s32 $0x11800;
	s22 =	simm.s32 $0x0  }
0x78: {  	[tilespmem:s31], [sflag:$0x4] =	stream.indirect_vreg.gather [hbm4b:s12+s21], $0x80, v2, vm0, $0xb8;
	[tilespmem:$0x12000] =	vst v63  }
.LBB2_3:
0x79: {  	s23 =	sshll.u32 s22, $0x7;
	s28 =	sand.u32 $0x40, s21  }
0x7a: {  	s29 =	sand.u32 $0x3C00, s21;
	s24 =	sor.u32 s23, s28  }
0x7b: {  	s25 =	sor.u32 s29, s24  }
0x7c: {  	v2 =	vld [tilespmem:s25+$0x2000]  }
0x7d: {  	v3 =	vld [tilespmem:s25+$0x6000];
	_ =	sdelay $0x4  }
0x7e: {  	s24 =	sor.u32 $0x10, s23;
	v2 =	vadd.f32 v3, v2  }
0x7f: {  	s26 =	sor.u32 s24, s28  }
0x80: {  	s26 =	sor.u32 s29, s26;
	[tilespmem:s25+$0x2000] =	vst v2  }
0x81: {  	v2 =	vld [tilespmem:s26+$0x2000]  }
0x82: {  	v3 =	vld [tilespmem:s26+$0x6000];
	_ =	sdelay $0x4  }
0x83: {  	s25 =	sor.u32 $0x20, s23;
	v2 =	vadd.f32 v3, v2  }
0x84: {  	s30 =	sor.u32 s25, s28  }
0x85: {  	s30 =	sor.u32 s29, s30;
	[tilespmem:s26+$0x2000] =	vst v2  }
0x86: {  	v2 =	vld [tilespmem:s30+$0x2000]  }
0x87: {  	v3 =	vld [tilespmem:s30+$0x6000];
	_ =	sdelay $0x4  }
0x88: {  	s26 =	sor.u32 $0x30, s23;
	v2 =	vadd.f32 v3, v2  }
0x89: {  	s28 =	sor.u32 s26, s28  }
0x8a: {  	[tilespmem:s30+$0x2000] =	vst v2;
	s30 =	sor.u32 s29, s28  }
0x8b: {  	v2 =	vld [tilespmem:s30+$0x2000]  }
0x8c: {  	s28 =	simm.s32 $0x40;
	s29 =	simm.s32 $0x0;
	v3 =	vld [tilespmem:s30+$0x6000]  }
.LBB2_4:
0x8d: {  	_ = 	snop  }
0x8e: {  	p0 =	sne.s32 s28, $0x7C0  }
0x8f: {  	s29 =	sadd.s32 $0x200, s29;
	s31 =	smov.u32 s28;
	s28 =	sadd.s32 $0x40, s28  }
0x90: {  	_ = 	snop  }
0x91: {  	s31 =	sand.u32 $0x40, s31;
	v2 =	vadd.f32 v3, v2  }
0x92: {  	s1 =	sand.u32 $0x3C00, s29;
	s0 =	sor.u32 s23, s31;
	s4 =	sor.u32 s24, s31  }
0x93: {  	s5 =	sor.u32 s25, s31;
	s31 =	sor.u32 s26, s31;
	s0 =	sor.u32 s1, s0;
	[tilespmem:s30+$0x2000] =	vst v2  }
0x94: {  	v2 =	vld [tilespmem:s0+$0x2000]  }
0x95: {  	v3 =	vld [tilespmem:s0+$0x6000];
	_ =	sdelay $0x4  }
0x96: {  	v2 =	vadd.f32 v3, v2;
	_ =	sdelay $0x1  }
0x97: {  	[tilespmem:s0+$0x2000] =	vst v2;
	s0 =	sor.u32 s1, s4  }
0x98: {  	v2 =	vld [tilespmem:s0+$0x2000]  }
0x99: {  	v3 =	vld [tilespmem:s0+$0x6000];
	_ =	sdelay $0x4  }
0x9a: {  	v2 =	vadd.f32 v3, v2;
	_ =	sdelay $0x1  }
0x9b: {  	[tilespmem:s0+$0x2000] =	vst v2;
	s0 =	sor.u32 s1, s5  }
0x9c: {  	v2 =	vld [tilespmem:s0+$0x2000]  }
0x9d: {  	v3 =	vld [tilespmem:s0+$0x6000];
	_ =	sdelay $0x4  }
.Ltmp0:
0x9e: {  	v2 =	vadd.f32 v3, v2;
	(pc) =	sbr.rel @p0 .LBB2_4-.Ltmp0, $4  }
0x9f: {  	_ = 	snop  }
0xa0: {  	s30 =	sor.u32 s1, s31;
	[tilespmem:s0+$0x2000] =	vst v2  }
0xa1: {  	v2 =	vld [tilespmem:s30+$0x2000]  }
0xa2: {  	v3 =	vld [tilespmem:s30+$0x6000]  }
0xa3: {  	s22 =	sadd.s32 $0x1, s22  }
0xa4: {  	p0 =	sne.s32 s22, $0x8  }
.Ltmp1:
0xa5: {  	_ = 	snop;
	(pc) =	sbr.rel @p0 .LBB2_3-.Ltmp1, $3  }
0xa6: {  	_ = 	snop  }
0xa7: {  	v2 =	vadd.f32 v3, v2;
	_ =	sdelay $0x1  }
0xa8: {  	[tilespmem:s30+$0x2000] =	vst v2  }
0xa9: {  	s0 =	sshll.u32 s17, $0xC  }
0xaa: {  	s1 =	simm.s32 $0x2000;
	s0 =	sadd.s32 s0, s13  }
0xab: {  	[hbm4b:s0+s2] =	stream.linear.scatter [tilespmem:s1], [sflag:$0x5], $0x4000, $0x38;
	[tilespmem:$0x12000] =	vst v63  }
0xac: {  	_ =	swait.ge [sflag:s14], $0x4000  }
0xad: {  	[sflag:s14] =	ssyncset.done $0x0  }
0xae: {  	[sflag:s14] =	ssyncadd.s32 $0xFFFFC000  }
0xaf: {  	_ =	swait.ge [sflag:s15], $0x4000  }
0xb0: {  	p0 =	seq.s32 s17, $0xF;
	[sflag:s15] =	ssyncset.done $0x0  }
0xb1: {  	s0 =	simm.s32 @!p0 $0x5;
	[sflag:s15] =	ssyncadd.s32 $0xFFFFC000  }
0xb2: {  	_ =	swait.ge @!p0 [sflag:s0], $0x4000  }
0xb3: {  	[sflag:s0] =	ssyncset.done @!p0 $0x0  }
0xb4: {  	[sflag:s0] =	ssyncadd.s32 @!p0 $0xFFFFC000;
	s0 =	sshll.u32 @!p0 s17, $0x8  }
0xb5: {  	v2 =	vld.msk @!p0 [tilespmem:s0+$0x100], $0xff;
	_ =	sdelay $0x4  }
0xb6: {  	v3 =	vshll.u32 @!p0 v2, $0x4  }
0xb7: {  	v4 =	vlaneseq.u32 @!p0;
	v2 =	vand.u32 @!p0 $0x7, v2;
	v3 =	vand.u32 @!p0 $0xFFFFFF80, v3  }
0xb8: {  	v2 =	vor.u32 @!p0 v2, v3;
	v3 =	vand.u32 @!p0 $0x7, v4;
	v4 =	vshrl.u32 @!p0 v4, $0x3  }
0xb9: {  	v2 =	vperm.xlane @!p0 v2, v3;
	v4 =	vmul.u32 @!p0 $0x8, v4;
	_ =	sdelay $0x1  }
0xba: {  	v2 =	vadd.s32 @!p0 v4, v2;
	_ =	sdelay $0x3  }
0xbb: {  	vm1 =	vmmov @!p0 $0xffff;
	s4 =	simm.s32 @!p0 $0x2000;
	s1 =	simm.s32 @!p0 $0x0  }
0xbc: {  	[tilespmem:s4], [sflag:$0x1] =	stream.indirect_vreg.gather @!p0 [hbm4b:s3+s1], $0x80, v2, vm1, $0xb8;
	[tilespmem:$0x12000] =	vst v63  }
0xbd: {  	s4 =	simm.s32 @!p0 $0x2800  }
0xbe: {  	[tilespmem:s4], [sflag:$0x1] =	stream.indirect_vreg.gather @!p0 [hbm4b:s6+s1], $0x80, v2, vm1, $0xb8;
	[tilespmem:$0x12000] =	vst v63  }
0xbf: {  	s4 =	simm.s32 @!p0 $0x3000  }
0xc0: {  	[tilespmem:s4], [sflag:$0x1] =	stream.indirect_vreg.gather @!p0 [hbm4b:s7+s1], $0x80, v2, vm1, $0xb8;
	[tilespmem:$0x12000] =	vst v63  }
0xc1: {  	s4 =	simm.s32 @!p0 $0x3800  }
0xc2: {  	[tilespmem:s4], [sflag:$0x1] =	stream.indirect_vreg.gather @!p0 [hbm4b:s8+s1], $0x80, v2, vm1, $0xb8;
	[tilespmem:$0x12000] =	vst v63  }
0xc3: {  	s4 =	simm.s32 @!p0 $0x4000  }
0xc4: {  	[tilespmem:s4], [sflag:$0x1] =	stream.indirect_vreg.gather @!p0 [hbm4b:s9+s1], $0x80, v2, vm1, $0xb8;
	[tilespmem:$0x12000] =	vst v63  }
0xc5: {  	s4 =	simm.s32 @!p0 $0x4800  }
0xc6: {  	[tilespmem:s4], [sflag:$0x1] =	stream.indirect_vreg.gather @!p0 [hbm4b:s10+s1], $0x80, v2, vm1, $0xb8;
	[tilespmem:$0x12000] =	vst v63  }
0xc7: {  	s4 =	simm.s32 @!p0 $0x5000  }
0xc8: {  	[tilespmem:s4], [sflag:$0x1] =	stream.indirect_vreg.gather @!p0 [hbm4b:s11+s1], $0x80, v2, vm1, $0xb8;
	[tilespmem:$0x12000] =	vst v63  }
0xc9: {  	s4 =	simm.s32 @!p0 $0x5800  }
0xca: {  	[tilespmem:s4], [sflag:$0x1] =	stream.indirect_vreg.gather @!p0 [hbm4b:s12+s1], $0x80, v2, vm1, $0xb8;
	[tilespmem:$0x12000] =	vst v63  }
0xcb: {  	v2 =	vld.msk @!p0 [tilespmem:s0+$0x1100], $0xff;
	_ =	sdelay $0x4  }
0xcc: {  	v5 =	vshll.u32 @!p0 v2, $0x4  }
0xcd: {  	v2 =	vand.u32 @!p0 $0x7, v2;
	v5 =	vand.u32 @!p0 $0xFFFFFF80, v5  }
0xce: {  	v2 =	vor.u32 @!p0 v2, v5  }
0xcf: {  	v2 =	vperm.xlane @!p0 v2, v3;
	_ =	sdelay $0x1  }
0xd0: {  	v2 =	vadd.s32 @!p0 v4, v2;
	_ =	sdelay $0x3  }
0xd1: {  	s0 =	simm.s32 @!p0 $0x6000  }
0xd2: {  	[tilespmem:s0], [sflag:$0x2] =	stream.indirect_vreg.gather @!p0 [hbm4b:s3+s1], $0x80, v2, vm1, $0xb8;
	[tilespmem:$0x12000] =	vst v63  }
0xd3: {  	s0 =	simm.s32 @!p0 $0x6800  }
0xd4: {  	[tilespmem:s0], [sflag:$0x2] =	stream.indirect_vreg.gather @!p0 [hbm4b:s6+s1], $0x80, v2, vm1, $0xb8;
	[tilespmem:$0x12000] =	vst v63  }
0xd5: {  	s0 =	simm.s32 @!p0 $0x7000  }
0xd6: {  	[tilespmem:s0], [sflag:$0x2] =	stream.indirect_vreg.gather @!p0 [hbm4b:s7+s1], $0x80, v2, vm1, $0xb8;
	[tilespmem:$0x12000] =	vst v63  }
0xd7: {  	s0 =	simm.s32 @!p0 $0x7800  }
0xd8: {  	[tilespmem:s0], [sflag:$0x2] =	stream.indirect_vreg.gather @!p0 [hbm4b:s8+s1], $0x80, v2, vm1, $0xb8;
	[tilespmem:$0x12000] =	vst v63  }
0xd9: {  	s0 =	simm.s32 @!p0 $0x8000  }
0xda: {  	[tilespmem:s0], [sflag:$0x2] =	stream.indirect_vreg.gather @!p0 [hbm4b:s9+s1], $0x80, v2, vm1, $0xb8;
	[tilespmem:$0x12000] =	vst v63  }
0xdb: {  	s0 =	simm.s32 @!p0 $0x8800  }
0xdc: {  	[tilespmem:s0], [sflag:$0x2] =	stream.indirect_vreg.gather @!p0 [hbm4b:s10+s1], $0x80, v2, vm1, $0xb8;
	[tilespmem:$0x12000] =	vst v63  }
0xdd: {  	s0 =	simm.s32 @!p0 $0x9000  }
0xde: {  	[tilespmem:s0], [sflag:$0x2] =	stream.indirect_vreg.gather @!p0 [hbm4b:s11+s1], $0x80, v2, vm1, $0xb8;
	[tilespmem:$0x12000] =	vst v63  }
0xdf: {  	s21 =	simm.s32 $0x0;
	s22 =	simm.s32 $0x0;
	s0 =	simm.s32 @!p0 $0x9800  }
0xe0: {  	[tilespmem:s0], [sflag:$0x2] =	stream.indirect_vreg.gather @!p0 [hbm4b:s12+s1], $0x80, v2, vm1, $0xb8;
	[tilespmem:$0x12000] =	vst v63  }
.LBB2_7:
0xe1: {  	s23 =	sshll.u32 s22, $0x7;
	s0 =	sand.u32 $0x40, s21  }
0xe2: {  	s1 =	sand.u32 $0x3C00, s21;
	s4 =	sor.u32 s23, s0  }
0xe3: {  	s4 =	sor.u32 s1, s4  }
0xe4: {  	v2 =	vld [tilespmem:s4+$0xA000]  }
0xe5: {  	v3 =	vld [tilespmem:s4+$0xE000];
	_ =	sdelay $0x4  }
0xe6: {  	s24 =	sor.u32 $0x10, s23;
	v2 =	vadd.f32 v3, v2  }
0xe7: {  	s5 =	sor.u32 s24, s0  }
0xe8: {  	s5 =	sor.u32 s1, s5;
	[tilespmem:s4+$0xA000] =	vst v2  }
0xe9: {  	v2 =	vld [tilespmem:s5+$0xA000]  }
0xea: {  	v3 =	vld [tilespmem:s5+$0xE000];
	_ =	sdelay $0x4  }
0xeb: {  	s25 =	sor.u32 $0x20, s23;
	v2 =	vadd.f32 v3, v2  }
0xec: {  	s26 =	sor.u32 s25, s0  }
0xed: {  	s31 =	sor.u32 s1, s26;
	[tilespmem:s5+$0xA000] =	vst v2  }
0xee: {  	v2 =	vld [tilespmem:s31+$0xA000]  }
0xef: {  	v3 =	vld [tilespmem:s31+$0xE000];
	_ =	sdelay $0x4  }
0xf0: {  	s26 =	sor.u32 $0x30, s23;
	v2 =	vadd.f32 v3, v2  }
0xf1: {  	s0 =	sor.u32 s26, s0  }
0xf2: {  	s30 =	sor.u32 s1, s0;
	[tilespmem:s31+$0xA000] =	vst v2  }
0xf3: {  	v2 =	vld [tilespmem:s30+$0xA000]  }
0xf4: {  	s28 =	simm.s32 $0x40;
	s29 =	simm.s32 $0x0;
	v3 =	vld [tilespmem:s30+$0xE000]  }
.LBB2_8:
0xf5: {  	_ = 	snop  }
0xf6: {  	p0 =	sne.s32 s28, $0x7C0  }
0xf7: {  	s29 =	sadd.s32 $0x200, s29;
	s0 =	smov.u32 s28;
	s28 =	sadd.s32 $0x40, s28  }
0xf8: {  	_ = 	snop  }
0xf9: {  	s0 =	sand.u32 $0x40, s0;
	v2 =	vadd.f32 v3, v2  }
0xfa: {  	s1 =	sand.u32 $0x3C00, s29;
	s4 =	sor.u32 s23, s0;
	s5 =	sor.u32 s24, s0  }
0xfb: {  	s31 =	sor.u32 s25, s0;
	s0 =	sor.u32 s26, s0;
	s4 =	sor.u32 s1, s4;
	[tilespmem:s30+$0xA000] =	vst v2  }
0xfc: {  	v2 =	vld [tilespmem:s4+$0xA000]  }
0xfd: {  	v3 =	vld [tilespmem:s4+$0xE000];
	_ =	sdelay $0x4  }
0xfe: {  	v2 =	vadd.f32 v3, v2;
	_ =	sdelay $0x1  }
0xff: {  	[tilespmem:s4+$0xA000] =	vst v2;
	s4 =	sor.u32 s1, s5  }
0x100: {  	v2 =	vld [tilespmem:s4+$0xA000]  }
0x101: {  	v3 =	vld [tilespmem:s4+$0xE000];
	_ =	sdelay $0x4  }
0x102: {  	v2 =	vadd.f32 v3, v2;
	_ =	sdelay $0x1  }
0x103: {  	[tilespmem:s4+$0xA000] =	vst v2;
	s4 =	sor.u32 s1, s31  }
0x104: {  	v2 =	vld [tilespmem:s4+$0xA000]  }
0x105: {  	v3 =	vld [tilespmem:s4+$0xE000];
	_ =	sdelay $0x4  }
.Ltmp2:
0x106: {  	v2 =	vadd.f32 v3, v2;
	(pc) =	sbr.rel @p0 .LBB2_8-.Ltmp2, $4  }
0x107: {  	_ = 	snop  }
0x108: {  	s30 =	sor.u32 s1, s0;
	[tilespmem:s4+$0xA000] =	vst v2  }
0x109: {  	v2 =	vld [tilespmem:s30+$0xA000]  }
0x10a: {  	v3 =	vld [tilespmem:s30+$0xE000]  }
0x10b: {  	s22 =	sadd.s32 $0x1, s22  }
0x10c: {  	p0 =	sne.s32 s22, $0x8  }
.Ltmp3:
0x10d: {  	_ = 	snop;
	(pc) =	sbr.rel @p0 .LBB2_7-.Ltmp3, $3  }
0x10e: {  	_ = 	snop  }
0x10f: {  	v2 =	vadd.f32 v3, v2;
	_ =	sdelay $0x1  }
0x110: {  	[tilespmem:s30+$0xA000] =	vst v2  }
0x111: {  	s17 =	sadd.s32 $0x1, s17  }
0x112: {  	p0 =	sne.s32 s17, $0x10  }
.Ltmp4:
0x113: {  	_ = 	snop;
	(pc) =	sbr.rel @p0 .LBB2_2-.Ltmp4, $4  }
0x114: {  	_ = 	snop  }
0x115: {  	s0 =	sshll.u32 s20, $0xB  }
0x116: {  	s0 =	sadd.s32 s0, s13  }
0x117: {  	[hbm4b:s0+s2] =	stream.linear.scatter [tilespmem:s19], [sflag:$0x6], $0x4000, $0x38;
	[tilespmem:$0x12000] =	vst v63  }
0x118: {  	s0 =	simm.s32 $0x5  }
0x119: {  	_ =	swait.ge [sflag:s0], $0x4000  }
0x11a: {  	[sflag:s0] =	ssyncset.done $0x0  }
0x11b: {  	s1 =	simm.s32 $0x6;
	[sflag:s0] =	ssyncadd.s32 $0xFFFFC000  }
0x11c: {  	_ =	swait.ge [sflag:s1], $0x4000  }
0x11d: {  	s4 =	rddreg [dreg:$0x6]  }
0x11e: {  	s31 =	rddreg [dreg:$0x5];
	s4 =	sadd.s32 $0x1, s4  }
0x11f: {  	p0 =	sne.s32 s4, s31  }
.Ltmp5:
0x120: {  	_ = 	snop;
	(pc) =	sbr.rel @p0 .LBB2_1-.Ltmp5, $3  }
0x121: {  	_ =	sdelay $0x1  }
0x122: {  	[sflag:s1] =	ssyncset.done $0x0  }
0x123: {  	[sflag:s1] =	ssyncadd.s32 $0xFFFFC000  }
0x124: {  	_ =	sfence.sel $0x180000  }
0x125: {  	[bflag:$0x0] =	sbarrier.arrive $0xFFFF  }
0x126: {  	_ =	strace $0x90000053  }
0x127: {  	s0 =	stileid.u32;
	[bflag:$0x2] =	sbarrier.arrive $0xFFFF  }
0x128: {  	p0 =	sne.s32 s0, $0x0;
	s0 =	rddreg [dreg:$0x2]  }
0x129: {  	s0 =	sadd.s32 @!p0 $0x100000, s0  }
0x12a: {  	[sflag:s0] =	ssyncadd.tile.s32 @!p0 $0x1;
	_ =	shalt  }
.Lfunc_end2:
_tile_overlayer_lowered:
.L_overlay_start_2:
0x12b: {  	(tag) =	ssettag $0x2  }
0x12c: {  	s0 =	rddreg [dreg:$0x0];
	s2 =	stileid.u32  }
0x12d: {  	s1 =	rddreg [dreg:$0x1];
	p0 =	sne.s32 s2, $0x0  }
0x12e: {  	s3 =	rddreg [dreg:$0x2];
	[bflag:$0x3] =	sbarrier.arrive $0xFFFF;
	s2 =	simm.s32 @!p0 $0x1C07  }
0x12f: {  	[timem:s3], [sflag:s2] =	dma.local @!p0 [hbm:s0], s1  }
0x130: {  	s0 =	simm.s32 @!p0 $0x7  }
0x131: {  	_ =	swait.ge @!p0 [sflag:s0], s1  }
0x132: {  	s1 =	ssub.s32 @!p0 $0x0, s1;
	[sflag:s0] =	ssyncset.done @!p0 $0x0  }
0x133: {  	[sflag:s0] =	ssyncadd.s32 @!p0 s1  }
0x134: {  	[bflag:$0x3] =	sbarrier.arrive $0xFFFF  }
0x135: {  	_ =	shalt  }

// kernel: scatter_offload_async_start
scs
__scs_entry_jumppad:
0x0: {  	(pc) =	sbr.rel $0x88, $3  }
0x1: {  	(tag) =	ssettag $0x0;
	lr =	simm.s32 $0x1  }
0x2: {  	[smem:$0x3F9C] =	sst lr;
	_ =	strace $0xD0000000  }
0x3: {  	_ = 	snop  }
0x4: {  	_ = 	snop  }
0x5: {  	_ = 	snop  }
0x6: {  	_ = 	snop  }
0x7: {  	_ = 	snop  }
__scs_overlays_trampoline_lowered:
0x8: {  	[smem:$0x3FAB] =	sst s0  }
0x9: {  	[smem:$0x3FAC] =	sst s1  }
0xa: {  	[smem:$0x3FAD] =	sst s2  }
0xb: {  	[smem:$0x3FAE] =	sst s3  }
0xc: {  	[smem:$0x3FAF] =	sst s4  }
0xd: {  	[smem:$0x3FB0] =	sst s5  }
0xe: {  	[smem:$0x3FB1] =	sst s6  }
0xf: {  	[smem:$0x3FB2] =	sst s7  }
0x10: {  	[smem:$0x3FB3] =	sst s8  }
0x11: {  	[smem:$0x3FB4] =	sst s9;
	s0 =	simm.s32 @!p0 $0x0  }
0x12: {  	s1 =	sld [smem:$0x3F9A];
	s0 =	simm.s32 @p0 $0x1  }
0x13: {  	[smem:$0x3FB5] =	sst s0;
	s0 =	simm.s32 @!p1 $0x0  }
0x14: {  	s2 =	sld [smem:$0x3F99];
	s0 =	simm.s32 @p1 $0x1  }
0x15: {  	[smem:$0x3FB6] =	sst s0;
	s0 =	simm.s32 @!p2 $0x0  }
0x16: {  	s3 =	sld [smem:$0x3FDB];
	s0 =	simm.s32 @p2 $0x1  }
0x17: {  	s4 =	simm.s32 $0x1BF5;
	[smem:$0x3FB8] =	sst s0  }
0x18: {  	s0 =	sld [smem:$0x3F9B];
	_ =	swait.ge [sflag:s4], $0x0  }
0x19: {  	s7 =	sld [smem:$0x3F9C]  }
0x1a: {  	s8 =	sadd.s32 $0xFFFFE003, lr  }
0x1b: {  	s9 =	sadd.s32 $0xFFFFFEF7, lr;
	s5 =	simm.s32 $0xFFFFFFFF;
	p2 =	slt.u32 s8, $0xFFFFF086  }
0x1c: {  	p1 =	slt.u32 s9, $0xF7A;
	s5 =	simm.s32 @!p2 $0x0  }
0x1d: {  	s5 =	simm.s32 @p1 $0x1;
	p0 =	seq.s32 s7, s2  }
0x1e: {  	s7 =	smul.u32 @!p0 $0xF7A, s2;
	p2 =	seq.s32 @!p0 s5, $0x0  }
0x1f: {  	s9 =	smul.u32 $0xF7A, s1;
	s8 =	simm.s32 @!p0 $0x1BF5;
	p2 =	por !p2, p0  }
0x20: {  	[sflag:s8] =	ssyncset.s32 @!p0 $0xFFFFF086;
	s6 =	sadd.s32 @!p0 s3, s7;
	s7 =	simm.s32 @!p0 $0x108  }
0x21: {  	s3 =	sadd.s32 s3, s9;
	s6 =	sadd.s32 @!p0 $0x88, s6;
	s7 =	simm.s32 @p2 $0x1082  }
0x22: {  	[simem:s7], [sflag:s8] =	dma.local @!p0 [hbm:s6], $0xF7A  }
0x23: {  	s9 =	sor.u32 $0xD0000000, s2;
	s6 =	simm.s32 $0x108;
	_ =	swait.ge @!p0 [sflag:s8], $0x0  }
0x24: {  	s3 =	sadd.s32 $0x88, s3;
	s6 =	simm.s32 @!p1 $0x1082;
	[sflag:s4] =	ssyncset.s32 $0xFFFFF086  }
0x25: {  	[simem:s6], [sflag:s4] =	dma.local [hbm:s3], $0xF7A  }
0x26: {  	[smem:$0x3F9C] =	sst s1;
	(tag) =	ssettag s2;
	_ =	strace s9  }
0x27: {  	s1 =	sld [smem:$0x3FAC]  }
0x28: {  	s2 =	sld [smem:$0x3FAD]  }
0x29: {  	s4 =	sld [smem:$0x3FAF]  }
0x2a: {  	p0 =	seq.s32 s5, $0x0;
	s5 =	sld [smem:$0x3FB0]  }
0x2b: {  	s6 =	sld [smem:$0x3FB1]  }
0x2c: {  	s7 =	sld [smem:$0x3FB2]  }
0x2d: {  	s3 =	simm.s32 $0x108;
	s8 =	sld [smem:$0x3FB3]  }
0x2e: {  	s3 =	simm.s32 @!p0 $0x1082;
	s9 =	sld [smem:$0x3FB4]  }
0x2f: {  	lr =	sadd.s32 s0, s3;
	s0 =	sld [smem:$0x3FAB]  }
0x30: {  	s3 =	sld [smem:$0x3FAE]  }
0x31: {  	[smem:$0x3FB7] =	sst s10  }
0x32: {  	s10 =	sld [smem:$0x3FB5];
	_ =	sdelay $0x3  }
0x33: {  	p0 =	seq.s32 s10, $0x1;
	s10 =	sld [smem:$0x3FB7];
	_ =	sdelay $0x3  }
0x34: {  	[smem:$0x3FB7] =	sst s10  }
0x35: {  	s10 =	sld [smem:$0x3FB6];
	_ =	sdelay $0x3  }
0x36: {  	p1 =	seq.s32 s10, $0x1;
	s10 =	sld [smem:$0x3FB7];
	_ =	sdelay $0x3  }
0x37: {  	[smem:$0x3FB7] =	sst s10  }
0x38: {  	s10 =	sld [smem:$0x3FB8]  }
0x39: {  	_ = 	snop;
	(pc) =	sbr.ind lr, $3  }
0x3a: {  	_ = 	snop  }
0x3b: {  	_ = 	snop  }
0x3c: {  	p2 =	seq.s32 s10, $0x1;
	s10 =	sld [smem:$0x3FB7]  }
0x3d: {  	_ =	shalt  }
0x3e: {  	_ =	shalt  }
0x3f: {  	_ =	shalt  }
0x40: {  	_ =	shalt  }
0x41: {  	_ =	shalt  }
0x42: {  	_ =	shalt  }
0x43: {  	_ =	shalt  }
0x44: {  	_ =	shalt  }
0x45: {  	_ =	shalt  }
0x46: {  	_ =	shalt  }
0x47: {  	_ =	shalt  }
0x48: {  	_ =	shalt  }
0x49: {  	_ =	shalt  }
0x4a: {  	_ =	shalt  }
0x4b: {  	_ =	shalt  }
0x4c: {  	_ =	shalt  }
0x4d: {  	_ =	shalt  }
0x4e: {  	_ =	shalt  }
0x4f: {  	_ =	shalt  }
0x50: {  	_ =	shalt  }
0x51: {  	_ =	shalt  }
0x52: {  	_ =	shalt  }
0x53: {  	_ =	shalt  }
0x54: {  	_ =	shalt  }
0x55: {  	_ =	shalt  }
0x56: {  	_ =	shalt  }
0x57: {  	_ =	shalt  }
0x58: {  	_ =	shalt  }
0x59: {  	_ =	shalt  }
0x5a: {  	_ =	shalt  }
0x5b: {  	_ =	shalt  }
0x5c: {  	_ =	shalt  }
0x5d: {  	_ =	shalt  }
0x5e: {  	_ =	shalt  }
0x5f: {  	_ =	shalt  }
0x60: {  	_ =	shalt  }
0x61: {  	_ =	shalt  }
0x62: {  	_ =	shalt  }
0x63: {  	_ =	shalt  }
0x64: {  	_ =	shalt  }
0x65: {  	_ =	shalt  }
0x66: {  	_ =	shalt  }
0x67: {  	_ =	shalt  }
0x68: {  	_ =	shalt  }
0x69: {  	_ =	shalt  }
0x6a: {  	_ =	shalt  }
0x6b: {  	_ =	shalt  }
0x6c: {  	_ =	shalt  }
0x6d: {  	_ =	shalt  }
0x6e: {  	_ =	shalt  }
0x6f: {  	_ =	shalt  }
0x70: {  	_ =	shalt  }
0x71: {  	_ =	shalt  }
0x72: {  	_ =	shalt  }
0x73: {  	_ =	shalt  }
0x74: {  	_ =	shalt  }
0x75: {  	_ =	shalt  }
0x76: {  	_ =	shalt  }
0x77: {  	_ =	shalt  }
0x78: {  	_ =	shalt  }
0x79: {  	_ =	shalt  }
0x7a: {  	_ =	shalt  }
0x7b: {  	_ =	shalt  }
0x7c: {  	_ =	shalt  }
0x7d: {  	_ =	shalt  }
0x7e: {  	_ =	shalt  }
0x7f: {  	_ =	shalt  }
0x80: {  	_ =	shalt  }
0x81: {  	_ =	shalt  }
0x82: {  	_ =	shalt  }
0x83: {  	_ =	shalt  }
0x84: {  	_ =	shalt  }
0x85: {  	_ =	shalt  }
0x86: {  	_ =	shalt  }
0x87: {  	_ =	shalt  }
.Lfunc_end0:
.L_simem_size_0:
called_computation_lowered:
.L_overlay_start_0:
0x88: {  	s0 =	sld [smem:$0x3FD9]  }
0x89: {  	s1 =	sld [smem:$0x3FFE];
	_ =	sdelay $0x3  }
0x8a: {  	s0 =	sadd.s32 s1, s0  }
0x8b: {  	[smem:$0x3FC3] =	sst s0  }
0x8c: {  	_ = 	snop  }
0x8d: {  	s0 =	sld [smem:$0x3FD0];
	(tm) =	ssettm $0x1  }
0x8e: {  	s16 =	sld [smem:$0x3FFB];
	_ =	sdelay $0x3  }
0x8f: {  	_ =	strace s16  }
0x90: {  	s1 =	sld [smem:$0x3FFC];
	_ =	sdelay $0x3  }
0x91: {  	_ =	strace s1  }
0x92: {  	s1 =	sld [smem:$0x3FFD];
	_ =	sdelay $0x3  }
0x93: {  	_ =	strace s1  }
0x94: {  	_ =	strace $0x8FFFFFFF  }
0x95: {  	s17 =	sld [smem:$0x3FDB];
	_ =	sdelay $0x1  }
0x96: {  	s2 =	simm.s32 $_scs_section_size  }
0x97: {  	s3 =	simm.s32 $_size__tile_overlayer_lowered;
	s4 =	simm.s32 $_tile_overlayer_lowered  }
0x98: {  	s20 =	simm.s32 $0x1BFF;
	s19 =	sshll.u32 s4, $0x1;
	s1 =	sadd.s32 s2, s17  }
0x99: {  	s5 =	simm.s32 $0x0;
	s18 =	sshll.u32 s3, $0x1;
	s3 =	sadd.s32 s19, s1  }
0x9a: {  	[timem:s5], [sflag:s20] =	dma.local [hbm:s3], s18  }
0x9b: {  	_ =	swait.ge [sflag:s20], s18  }
0x9c: {  	s2 =	ssub.s32 $0x0, s18;
	[sflag:s20] =	ssyncset.done $0x0  }
0x9d: {  	[sflag:s20] =	ssyncadd.s32 s2;
	_ =	sdelay $0x1  }
0x9e: {  	s21 =	simm.s32 $0x1B8B  }
0x9f: {  	_ =	swait.ge [sflag:s21], $0x1  }
0xa0: {  	[sflag:s21] =	ssyncset.done $0x0  }
0xa1: {  	s23 =	simm.s32 $0x1B8E;
	s22 =	sld [smem:$0x3FFE];
	[sflag:s21] =	ssyncadd.s32 $0xFFFFFFFF  }
0xa2: {  	s24 =	simm.s32 $execute0_lowered;
	[smem:$0x3FD2] =	sst s23  }
0xa3: {  	s3 =	sshll.u32 s24, $0x1;
	_ =	strace $0x80000046;
	[dreg:$0x1] =	wrdreg $0xFFFFFFFF  }
0xa4: {  	s25 =	simm.s32 $_size_execute0_lowered;
	s1 =	sadd.s32 s1, s3;
	[dreg:$0x0] =	wrdreg $0x0  }
0xa5: {  	s3 =	sshll.u32 s25, $0x1;
	[dreg:$0x2] =	wrdreg s1  }
0xa6: {  	[dreg:$0x3] =	wrdreg s3  }
0xa7: {  	[dreg:$0x4] =	wrdreg $0xC0  }
0xa8: {  	_ =	task [dreg:s5], $0x5FFFF  }
0xa9: {  	[dreg:$0x1] =	wrdreg $0xFFFFFFFF  }
0xaa: {  	[dreg:$0x0] =	wrdreg $0x60  }
0xab: {  	[dreg:$0x2] =	wrdreg s22  }
0xac: {  	[dreg:$0x3] =	wrdreg s0  }
0xad: {  	[dreg:$0x4] =	wrdreg $0x9  }
0xae: {  	_ =	task.clear_ibuf [dreg:s5], $0x5FFFF;
	_ =	strace $0x90000046  }
0xaf: {  	s26 =	simm.s32 $0x9;
	_ =	strace $0x80000048  }
0xb0: {  	_ =	swait.ge [sflag:s26], $0x1  }
0xb1: {  	[sflag:s26] =	ssyncadd.s32 $0xFFFFFFFF  }
0xb2: {  	_ =	strace $0x90000048  }
0xb3: {  	_ =	sfence  }
0xb4: {  	s28 =	sld [smem:$0x0];
	_ =	sdelay $0x1  }
0xb5: {  	s29 =	srdreg.scid  }
0xb6: {  	s30 =	sshll.u32 s29, $0xD;
	s31 =	sshrl.u32 s29, $0x2  }
0xb7: {  	s2 =	sand.u32 $0x4000, s30;
	s1 =	sand.u32 $0x1, s29;
	s0 =	sadd.s32 s31, s28  }
0xb8: {  	s1 =	sor.u32 s2, s1;
	s0 =	sshll.u32 s0, $0x11  }
0xb9: {  	s0 =	sor.u32 s0, s1  }
0xba: {  	s0 =	sadd.s32 $0x8F2B, s0  }
0xbb: {  	[sflag:s0] =	ssyncadd.remote.s32 $0x1  }
0xbc: {  	_ =	sfence.sel $0xFFFF  }
0xbd: {  	[dreg:$0x0] =	wrdreg $0xFFFFFFFF;
	(pc) =	sbr.abs _section_cstart, $3  }
0xbe: {  	[dreg:$0x1] =	wrdreg $0xFFFFFFFF  }
0xbf: {  	_ =	task.clear_ibuf [dreg:s5], $0x2FFFF;
	_ =	strace $0x9FFFFFFF  }
0xc0: {  	(tm) =	ssettm $0x7FFFFFFF  }
0xc1: {  	_ =	shalt  }
tec
execute0_lowered:
.L_overlay_start_1:
0x0: {  	(tag) =	ssettag $0x1  }
0x1: {  	s2 =	rddreg [dreg:$0x0]  }
0x2: {  	s3 =	rddreg [dreg:$0x1]  }
0x3: {  	s0 =	rddreg [dreg:$0x2];
	_ =	strace $0x80000047;
	s4 =	stileid.u32  }
0x4: {  	s5 =	simm.s32 $0x3E;
	s1 =	sadd.s32 $0x2800, s2;
	p0 =	sne.s32 s4, $0x0  }
0x5: {  	[sflag:s5] =	ssyncpa.u1 $0x0;
	s6 =	simm.s32 @!p0 $0x1C3E;
	s7 =	simm.s32 @!p0 $0x0  }
0x6: {  	[spmem:s7], [sflag:s6] =	dma.local @!p0 [hbm:s1], $0x10  }
0x7: {  	s6 =	simm.s32 @!p0 $0x3E  }
0x8: {  	_ =	swait.ge @!p0 [sflag:s6], $0x10  }
0x9: {  	[sflag:s6] =	ssyncset.done @!p0 $0x0  }
0xa: {  	[sflag:s6] =	ssyncadd.s32 @!p0 $0xFFFFFFF0  }
0xb: {  	s28 =	simm.s32 $0x1;
	s29 =	simm.s32 $0x2;
	[bflag:$0x0] =	sbarrier.arrive $0xFFFF  }
0xc: {  	s31 =	simm.s32 $0x408;
	s30 =	sadd.s32 $0x2000, s2;
	[sflag:s5] =	ssyncpa.u1 $0x1  }
0xd: {  	s4 =	sshll.u32 s4, $0x7;
	s2 =	simm.s32 $0x0;
	[sflag:s28] =	ssyncpa.u1 $0x0  }
0xe: {  	s3 =	sadd.s32 s3, s4;
	(ifvalue) =	ssetifvalue $0x80;
	[sflag:s29] =	ssyncpa.u1 $0x0  }
0xf: {  	[tilespmem:s31], [sflag:$0x2] =	stream.linear.gather [hbm4b:s3+s2], $0x400, $0x38;
	[tilespmem:$0x1008] =	vst v63  }
0x10: {  	s4 =	sadd.s32 s30, s4;
	s3 =	simm.s32 $0xC08  }
0x11: {  	[tilespmem:s3], [sflag:$0x2] =	stream.linear.gather [hbm4b:s4+s2], $0x400, $0x38;
	[tilespmem:$0x1008] =	vst v63  }
0x12: {  	_ =	swait.ge [sflag:s29], $0x800  }
0x13: {  	[sflag:s29] =	ssyncset.done $0x0  }
0x14: {  	[sflag:s29] =	ssyncadd.s32 $0xFFFFF800  }
0x15: {  	v0 =	vld.msk [tilespmem:s31+$0x0 ss:$0x1], $0xffff;
	_ =	sdelay $0x4  }
0x16: {  	v0 =	vmin.u32 v0, $0x80;
	_ =	sdelay $0x3  }
0x17: {  	vm0 =	vmmov $0xffff;
	s5 =	simm.s32 $0x418;
	s4 =	simm.s32 $0x0  }
0x18: {  	[spmem:s2] =	stream.indirect_vreg.scatter.add.s32 [tilespmem:s3], [sflag:$0x1], $0x1, v0, vm0, $0x4038;
	[tilespmem:$0x1008] =	vst v63  }
.LBB2_1:
0x19: {  	v0 =	vld.msk [tilespmem:s5+$0x0 ss:$0x1], $0xffff;
	s4 =	sadd.s32 $0x10, s4  }
0x1a: {  	p1 =	slt.u32 s4, $0x3F0;
	_ =	sdelay $0x4  }
0x1b: {  	v0 =	vmin.u32 v0, $0x80  }
.Ltmp0:
0x1c: {  	(pc) =	sbr.rel @p1 .LBB2_1-.Ltmp0, $3  }
0x1d: {  	_ =	sdelay $0x1  }
0x1e: {  	s5 =	sadd.s32 $0x10, s5;
	s3 =	sadd.s32 $0x10, s3  }
0x1f: {  	[spmem:s2] =	stream.indirect_vreg.scatter.add.s32 [tilespmem:s3], [sflag:$0x1], $0x1, v0, vm0, $0x4038;
	[tilespmem:$0x1008] =	vst v63  }
0x20: {  	s2 =	simm.s32 $0x1  }
0x21: {  	_ =	swait.ge [sflag:s2], $0x400  }
0x22: {  	[sflag:s2] =	ssyncset.done $0x0  }
0x23: {  	[sflag:s2] =	ssyncadd.s32 $0xFFFFFC00  }
0x24: {  	_ =	sfence.sel $0x180000  }
0x25: {  	s3 =	simm.s32 $0x2;
	[bflag:$0x0] =	sbarrier.arrive $0xFFFF  }
0x26: {  	[sflag:s3] =	ssyncpa.u1 $0x1  }
0x27: {  	[sflag:s2] =	ssyncpa.u1 $0x1  }
0x28: {  	_ =	sfence.stream.spmem  }
0x29: {  	s31 =	simm.s32 $0x3D;
	[bflag:$0x0] =	sbarrier.arrive $0xFFFF  }
0x2a: {  	s2 =	simm.s32 @p0 $0x3D;
	[sflag:s31] =	ssyncpa.u1 $0x0  }
0x2b: {  	[sflag:s2] =	ssyncpa.u1 @p0 $0x1  }
0x2c: {  	[bflag:$0x0] =	sbarrier.arrive @p0 $0xFFFF  }
0x2d: {  	_ =	strace @p0 $0x90000047  }
0x2e: {  	s3 =	simm.s32 @!p0 $0x1C3D;
	s2 =	simm.s32 @!p0 $0x0;
	[bflag:$0x2] =	sbarrier.arrive @p0 $0xFFFF  }
0x2f: {  	[hbm:s1], [sflag:s3] =	dma.local @!p0 [spmem:s2], $0x10  }
0x30: {  	s1 =	simm.s32 @!p0 $0x3D  }
0x31: {  	_ =	swait.ge @!p0 [sflag:s1], $0x10  }
0x32: {  	[sflag:s1] =	ssyncset.done @!p0 $0x0  }
0x33: {  	[sflag:s1] =	ssyncadd.s32 @!p0 $0xFFFFFFF0  }
0x34: {  	[sflag:s1] =	ssyncpa.u1 @!p0 $0x1  }
0x35: {  	[bflag:$0x0] =	sbarrier.arrive @!p0 $0xFFFF  }
0x36: {  	_ =	strace @!p0 $0x90000047  }
0x37: {  	s0 =	sadd.s32 @!p0 $0x100000, s0;
	[bflag:$0x2] =	sbarrier.arrive @!p0 $0xFFFF  }
0x38: {  	[sflag:s0] =	ssyncadd.tile.s32 @!p0 $0x1;
	_ =	shalt  }
.Lfunc_end2:
_tile_overlayer_lowered:
.L_overlay_start_2:
0x39: {  	(tag) =	ssettag $0x2  }
0x3a: {  	s0 =	rddreg [dreg:$0x0];
	s2 =	stileid.u32  }
0x3b: {  	s1 =	rddreg [dreg:$0x1];
	p0 =	sne.s32 s2, $0x0  }
0x3c: {  	s3 =	rddreg [dreg:$0x2];
	[bflag:$0x3] =	sbarrier.arrive $0xFFFF;
	s2 =	simm.s32 @!p0 $0x1C01  }
0x3d: {  	[timem:s3], [sflag:s2] =	dma.local @!p0 [hbm:s0], s1  }
0x3e: {  	s0 =	simm.s32 @!p0 $0x1  }
0x3f: {  	_ =	swait.ge @!p0 [sflag:s0], s1  }
0x40: {  	s1 =	ssub.s32 @!p0 $0x0, s1;
	[sflag:s0] =	ssyncset.done @!p0 $0x0  }
0x41: {  	[sflag:s0] =	ssyncadd.s32 @!p0 s1  }
0x42: {  	[bflag:$0x3] =	sbarrier.arrive $0xFFFF  }
0x43: {  	_ =	shalt  }

</sc_bundles>
